<compile_context>
chip_gen: v7x
topology: tpu7x:2x2x1
jax: 0.10.2.dev20260603
libtpu: 0.0.44.dev20260713+nightly
codegen_flags: <defaults>
</compile_context>

<pallas_src>
import functools

import jax
import jax.numpy as jnp
from jax import lax
from jax.experimental import pallas as pl
from jax.experimental.pallas import tpu as pltpu
from jax.experimental.pallas import tpu_sc as plsc

_NC = 2
_NS = 16
_NW = _NC * _NS


@functools.lru_cache(maxsize=None)
def _make_lookup(B, H, D):
    mesh = plsc.VectorSubcoreMesh(core_axis_name="c", subcore_axis_name="s")
    bw = B // _NW

    @functools.partial(
        pl.kernel,
        mesh=mesh,
        out_type=jax.ShapeDtypeStruct((H, D // 8, B // 128, 8, 128),
                                      jnp.float32),
        scratch_types=[
            pltpu.VMEM((H, bw), jnp.int32),
            pltpu.VMEM((2, bw, D), jnp.float32),
            pltpu.VMEM((2, D // 8, bw // 128 + 1, 8, 136), jnp.float32),
            pltpu.SemaphoreType.DMA((2,)),
            pltpu.SemaphoreType.DMA((2,)),
        ],
        compiler_params=pltpu.CompilerParams(
            use_tc_tiling_on_sc=False, needs_layout_passes=False
        ),
    )
    def lookup_k(idxT_hbm, w_hbm, outT_hbm, idx_v, blk_v, out_v, sem_g, sem_o):
        wid = lax.axis_index("s") * _NC + lax.axis_index("c")
        b0 = wid * bw
        pltpu.sync_copy(idxT_hbm.at[:, pl.ds(b0, bw)], idx_v)

        def fire_gather(l, gb):
            pltpu.async_copy(w_hbm.at[idx_v.at[l]], blk_v.at[gb], sem_g.at[gb])

        def wait_gather(l, gb):
            pltpu.make_async_copy(
                w_hbm.at[idx_v.at[l]], blk_v.at[gb], sem_g.at[gb]
            ).wait()

        tc0 = b0 // 128

        def fire_out(l, ob):
            pltpu.async_copy(
                out_v.at[ob, :, pl.ds(0, bw // 128), :, pl.ds(0, 128)],
                outT_hbm.at[l, :, pl.ds(tc0, bw // 128)],
                sem_o.at[ob],
            )

        def wait_out(l, ob):
            pltpu.make_async_copy(
                out_v.at[ob, :, pl.ds(0, bw // 128), :, pl.ds(0, 128)],
                outT_hbm.at[l, :, pl.ds(tc0, bw // 128)],
                sem_o.at[ob],
            ).wait()

        d_lo = lax.iota(jnp.int32, 16)
        d_hi = d_lo + 16
        tr_lo, dr_lo = d_lo // 8, d_lo % 8
        tr_hi, dr_hi = d_hi // 8, d_hi % 8

        def transpose(b):
            rows = blk_v.at[b]
            outp = out_v.at[b]

            def row_body(k, carry):
                for q in range(4):
                    bp = 4 * k + q
                    tcv = jnp.zeros((16,), jnp.int32) + bp // 128
                    bcv = jnp.zeros((16,), jnp.int32) + bp % 128
                    v0 = rows[bp, pl.ds(0, 16)]
                    v1 = rows[bp, pl.ds(16, 16)]
                    plsc.store_scatter(outp, [tr_lo, tcv, dr_lo, bcv], v0)
                    plsc.store_scatter(outp, [tr_hi, tcv, dr_hi, bcv], v1)
                return carry

            lax.fori_loop(0, bw // 4, row_body, 0)

        fire_gather(jnp.int32(0), 0)

        def body(u, carry):
            la = 2 * u
            lb = 2 * u + 1
            fire_gather(lb, 1)
            wait_gather(la, 0)

            @pl.when(u >= 1)
            def _():
                wait_out(la - 2, 0)

            transpose(0)
            fire_out(la, 0)

            @pl.when(lb + 1 < H)
            def _():
                fire_gather(lb + 1, 0)

            wait_gather(lb, 1)

            @pl.when(u >= 1)
            def _():
                wait_out(lb - 2, 1)

            transpose(1)
            fire_out(lb, 1)
            return carry

        lax.fori_loop(0, H // 2, body, 0)

        wait_out(jnp.int32(H - 2), 0)
        wait_out(jnp.int32(H - 1), 1)

    return lookup_k


def kernel(input, weight):
    B, H = input.shape
    V, D = weight.shape
    idxT = input.T.astype(jnp.int32)
    out5 = _make_lookup(B, H, D)(idxT, weight)
    return out5.transpose(2, 4, 0, 1, 3).reshape(B, H, D)

# --- scband reference (transcript-rebuilt; emitter-appended) ---
"""Pipeline reference for scband-wrapped-embedding-17669495455761 (READ-ONLY COPY).

The authoritative reference and input builder live on the scoring server;
editing this copy changes nothing except your own understanding.
"""

import jax, jax.numpy as jnp
import numpy as np

NUM_EMBEDDINGS = 1000000
EMBED_DIM = 32
BATCH = 16384
HIST = 50

def setup_inputs(seed: int = 0) -> dict:
    key = jax.random.key(seed)
    k_idx, k_w = jax.random.split(key)
    input_ids = jax.random.randint(k_idx, (BATCH, HIST), 0, NUM_EMBEDDINGS, dtype=jnp.int64 if jax.config.jax_enable_x64 else jnp.int32)
    weight = jax.random.normal(k_w, (NUM_EMBEDDINGS, EMBED_DIM), dtype=jnp.float32)
    return {"input": input_ids, "weight": weight}

def reference(input, weight):
    # WrappedEmbedding.forward simply delegates to nn.Embedding:
    # output[b, l, :] = weight[input[b, l], :]
    return jnp.take(weight, input, axis=0)

if __name__ == "__main__":
    import jax
    _d = setup_inputs()
    print(jax.jit(kernel)(*tuple(_d.values())))

</pallas_src>

<mosaic_0001>
#map = affine_map<(d0, d1) -> (0, 0)>
#map1 = affine_map<(d0, d1) -> (0, 0, 0, 0, 0)>
module attributes {stable_mosaic.version = 14 : i64} {
  func.func @lookup_k(%arg0: i32, %arg1: i32, %arg2: memref<50x16384xi32, #tpu.memory_space<hbm>>, %arg3: memref<1000000x32xf32, #tpu.memory_space<hbm>>, %arg4: memref<50x4x128x8x128xf32, #tpu.memory_space<hbm>>, %arg5: memref<50x512xi32, #tpu.memory_space<vmem>>, %arg6: memref<2x512x32xf32, #tpu.memory_space<vmem>>, %arg7: memref<2x4x5x8x136xf32, #tpu.memory_space<vmem>>, %arg8: memref<2x!tpu.dma_semaphore, #tpu.memory_space<semaphore_mem>>, %arg9: memref<2x!tpu.dma_semaphore, #tpu.memory_space<semaphore_mem>>) attributes {dimension_semantics = [#tpu.dimension_semantics<core_parallel>, #tpu.dimension_semantics<subcore_parallel>], iteration_bounds = array<i64: 2, 16>, scalar_prefetch = 0 : i64, scratch_operands = 5 : i64, tpu.core_type = #tpu.core_type<sc_vector_subcore>, window_params = [{transform_indices = #map}, {transform_indices = #map}, {transform_indices = #map1}]} {
    %mul3A = arith.constant 2 : i32
    %mul3A_0 = arith.muli %arg1, %mul3A : i32
    %add3A = arith.addi %mul3A_0, %arg0 : i32
    %mul3A_1 = arith.constant 512 : i32
    %mul3A_2 = arith.muli %add3A, %mul3A_1 : i32
    "tpu.region"() ({
      %run_scoped3A = tpu.sem_alloc : memref<!tpu.dma_semaphore, #tpu.memory_space<semaphore_mem>>
      %dma_start3A_198 = arith.constant 0 : i32
      %dma_start3A_199 = tpu.memref_slice %arg2[%dma_start3A_198, %mul3A_2] : memref<50x16384xi32, #tpu.memory_space<hbm>> -> memref<50x512xi32, #tpu.memory_space<hbm>>
      %dma_start3A_200 = arith.constant 0 : i32
      %dma_start3A_201 = tpu.memref_slice %arg2[%dma_start3A_200, %mul3A_2] : memref<50x16384xi32, #tpu.memory_space<hbm>> -> memref<50x512xi32, #tpu.memory_space<hbm>>
      tpu.enqueue_dma source(%dma_start3A_201 : memref<50x512xi32, #tpu.memory_space<hbm>>) target(%arg5 : memref<50x512xi32, #tpu.memory_space<vmem>>) target_semaphore(%run_scoped3A : memref<!tpu.dma_semaphore, #tpu.memory_space<semaphore_mem>>)
      %dma_wait3A_202 = arith.constant 0 : i32
      %dma_wait3A_203 = tpu.memref_slice %arg2[%dma_wait3A_202, %mul3A_2] : memref<50x16384xi32, #tpu.memory_space<hbm>> -> memref<50x512xi32, #tpu.memory_space<hbm>>
      %dma_wait3A_204 = arith.constant 0 : i32
      %dma_wait3A_205 = tpu.memref_slice %arg2[%dma_wait3A_204, %mul3A_2] : memref<50x16384xi32, #tpu.memory_space<hbm>> -> memref<50x512xi32, #tpu.memory_space<hbm>>
      tpu.wait_dma2 semaphore(%run_scoped3A : memref<!tpu.dma_semaphore, #tpu.memory_space<semaphore_mem>>) src(%dma_wait3A_205 : memref<50x512xi32, #tpu.memory_space<hbm>>) dst(%arg5 : memref<50x512xi32, #tpu.memory_space<vmem>>)
      tpu.yield
    }) : () -> ()
    %jit3A = arith.constant 128 : i32
    %div3A = arith.divsi %mul3A_2, %jit3A : i32
    %sign3A = arith.constant 0 : i32
    %sign3A_3 = arith.cmpi sgt, %mul3A_2, %sign3A : i32
    %sign3A_4 = arith.extui %sign3A_3 : i1 to i32
    %sign3A_5 = arith.constant 0 : i32
    %sign3A_6 = arith.cmpi slt, %mul3A_2, %sign3A_5 : i32
    %sign3A_7 = arith.extui %sign3A_6 : i1 to i32
    %sign3A_8 = arith.subi %sign3A_4, %sign3A_7 : i32
    %sign3A_9 = arith.constant 0 : i32
    %sign3A_10 = arith.cmpi sgt, %jit3A, %sign3A_9 : i32
    %sign3A_11 = arith.extui %sign3A_10 : i1 to i32
    %sign3A_12 = arith.constant 0 : i32
    %sign3A_13 = arith.cmpi slt, %jit3A, %sign3A_12 : i32
    %sign3A_14 = arith.extui %sign3A_13 : i1 to i32
    %sign3A_15 = arith.subi %sign3A_11, %sign3A_14 : i32
    %ne3A = arith.cmpi ne, %sign3A_8, %sign3A_15 : i32
    %rem3A = arith.remsi %mul3A_2, %jit3A : i32
    %ne3A_16 = arith.constant 0 : i32
    %ne3A_17 = arith.cmpi ne, %rem3A, %ne3A_16 : i32
    %and3A = arith.andi %ne3A, %ne3A_17 : i1
    %sub3A = arith.constant 1 : i32
    %sub3A_18 = arith.subi %div3A, %sub3A : i32
    %select_n3A = arith.select %and3A, %sub3A_18, %div3A : i32
    %iota3A = tpu.iota {dimensions = array<i32: 0>} : vector<16xi32>
    %add3A_19 = arith.constant 16 : i32
    %add3A_20 = vector.broadcast %add3A_19 : i32 to vector<16xi32>
    %add3A_21 = arith.addi %iota3A, %add3A_20 : vector<16xi32>
    %jit3A_22 = arith.constant 8 : i32
    %div3A_23 = vector.broadcast %jit3A_22 : i32 to vector<16xi32>
    %div3A_24 = arith.divsi %iota3A, %div3A_23 : vector<16xi32>
    %sign3A_25 = arith.constant 0 : i32
    %sign3A_26 = vector.broadcast %sign3A_25 : i32 to vector<16xi32>
    %sign3A_27 = arith.cmpi sgt, %iota3A, %sign3A_26 : vector<16xi32>
    %sign3A_28 = arith.extui %sign3A_27 : vector<16xi1> to vector<16xi32>
    %sign3A_29 = arith.constant 0 : i32
    %sign3A_30 = vector.broadcast %sign3A_29 : i32 to vector<16xi32>
    %sign3A_31 = arith.cmpi slt, %iota3A, %sign3A_30 : vector<16xi32>
    %sign3A_32 = arith.extui %sign3A_31 : vector<16xi1> to vector<16xi32>
    %sign3A_33 = arith.subi %sign3A_28, %sign3A_32 : vector<16xi32>
    %sign3A_34 = arith.constant 0 : i32
    %sign3A_35 = arith.cmpi sgt, %jit3A_22, %sign3A_34 : i32
    %sign3A_36 = arith.extui %sign3A_35 : i1 to i32
    %sign3A_37 = arith.constant 0 : i32
    %sign3A_38 = arith.cmpi slt, %jit3A_22, %sign3A_37 : i32
    %sign3A_39 = arith.extui %sign3A_38 : i1 to i32
    %sign3A_40 = arith.subi %sign3A_36, %sign3A_39 : i32
    %ne3A_41 = vector.broadcast %sign3A_40 : i32 to vector<16xi32>
    %ne3A_42 = arith.cmpi ne, %sign3A_33, %ne3A_41 : vector<16xi32>
    %rem3A_43 = vector.broadcast %jit3A_22 : i32 to vector<16xi32>
    %rem3A_44 = arith.remsi %iota3A, %rem3A_43 : vector<16xi32>
    %ne3A_45 = arith.constant 0 : i32
    %ne3A_46 = vector.broadcast %ne3A_45 : i32 to vector<16xi32>
    %ne3A_47 = arith.cmpi ne, %rem3A_44, %ne3A_46 : vector<16xi32>
    %and3A_48 = arith.andi %ne3A_42, %ne3A_47 : vector<16xi1>
    %sub3A_49 = arith.constant 1 : i32
    %sub3A_50 = vector.broadcast %sub3A_49 : i32 to vector<16xi32>
    %sub3A_51 = arith.subi %div3A_24, %sub3A_50 : vector<16xi32>
    %select_n3A_52 = arith.select %and3A_48, %sub3A_51, %div3A_24 : vector<16xi1>, vector<16xi32>
    %jit3A_53 = arith.constant 8 : i32
    %eq3A = arith.constant 0 : i32
    %eq3A_54 = arith.cmpi eq, %jit3A_53, %eq3A : i32
    %jit3A_55 = arith.constant 1 : i32
    %select_n3A_56 = arith.select %eq3A_54, %jit3A_55, %jit3A_53 : i32
    %rem3A_57 = vector.broadcast %select_n3A_56 : i32 to vector<16xi32>
    %rem3A_58 = arith.remsi %iota3A, %rem3A_57 : vector<16xi32>
    %ne3A_59 = arith.constant 0 : i32
    %ne3A_60 = vector.broadcast %ne3A_59 : i32 to vector<16xi32>
    %ne3A_61 = arith.cmpi ne, %rem3A_58, %ne3A_60 : vector<16xi32>
    %lt3A = arith.constant 0 : i32
    %lt3A_62 = vector.broadcast %lt3A : i32 to vector<16xi32>
    %lt3A_63 = arith.cmpi slt, %rem3A_58, %lt3A_62 : vector<16xi32>
    %lt3A_64 = arith.constant 0 : i32
    %lt3A_65 = arith.cmpi slt, %select_n3A_56, %lt3A_64 : i32
    %ne3A_66 = vector.broadcast %lt3A_65 : i1 to vector<16xi1>
    %ne3A_67 = vector.broadcast %ne3A_66 : vector<16xi1> to vector<16xi1>
    %ne3A_68 = arith.xori %lt3A_63, %ne3A_67 : vector<16xi1>
    %and3A_69 = arith.andi %ne3A_68, %ne3A_61 : vector<16xi1>
    %add3A_70 = vector.broadcast %select_n3A_56 : i32 to vector<16xi32>
    %add3A_71 = arith.addi %rem3A_58, %add3A_70 : vector<16xi32>
    %select_n3A_72 = arith.select %and3A_69, %add3A_71, %rem3A_58 : vector<16xi1>, vector<16xi32>
    %jit3A_73 = arith.constant 8 : i32
    %div3A_74 = vector.broadcast %jit3A_73 : i32 to vector<16xi32>
    %div3A_75 = arith.divsi %add3A_21, %div3A_74 : vector<16xi32>
    %sign3A_76 = arith.constant 0 : i32
    %sign3A_77 = vector.broadcast %sign3A_76 : i32 to vector<16xi32>
    %sign3A_78 = arith.cmpi sgt, %add3A_21, %sign3A_77 : vector<16xi32>
    %sign3A_79 = arith.extui %sign3A_78 : vector<16xi1> to vector<16xi32>
    %sign3A_80 = arith.constant 0 : i32
    %sign3A_81 = vector.broadcast %sign3A_80 : i32 to vector<16xi32>
    %sign3A_82 = arith.cmpi slt, %add3A_21, %sign3A_81 : vector<16xi32>
    %sign3A_83 = arith.extui %sign3A_82 : vector<16xi1> to vector<16xi32>
    %sign3A_84 = arith.subi %sign3A_79, %sign3A_83 : vector<16xi32>
    %sign3A_85 = arith.constant 0 : i32
    %sign3A_86 = arith.cmpi sgt, %jit3A_73, %sign3A_85 : i32
    %sign3A_87 = arith.extui %sign3A_86 : i1 to i32
    %sign3A_88 = arith.constant 0 : i32
    %sign3A_89 = arith.cmpi slt, %jit3A_73, %sign3A_88 : i32
    %sign3A_90 = arith.extui %sign3A_89 : i1 to i32
    %sign3A_91 = arith.subi %sign3A_87, %sign3A_90 : i32
    %ne3A_92 = vector.broadcast %sign3A_91 : i32 to vector<16xi32>
    %ne3A_93 = arith.cmpi ne, %sign3A_84, %ne3A_92 : vector<16xi32>
    %rem3A_94 = vector.broadcast %jit3A_73 : i32 to vector<16xi32>
    %rem3A_95 = arith.remsi %add3A_21, %rem3A_94 : vector<16xi32>
    %ne3A_96 = arith.constant 0 : i32
    %ne3A_97 = vector.broadcast %ne3A_96 : i32 to vector<16xi32>
    %ne3A_98 = arith.cmpi ne, %rem3A_95, %ne3A_97 : vector<16xi32>
    %and3A_99 = arith.andi %ne3A_93, %ne3A_98 : vector<16xi1>
    %sub3A_100 = arith.constant 1 : i32
    %sub3A_101 = vector.broadcast %sub3A_100 : i32 to vector<16xi32>
    %sub3A_102 = arith.subi %div3A_75, %sub3A_101 : vector<16xi32>
    %select_n3A_103 = arith.select %and3A_99, %sub3A_102, %div3A_75 : vector<16xi1>, vector<16xi32>
    %jit3A_104 = arith.constant 8 : i32
    %eq3A_105 = arith.constant 0 : i32
    %eq3A_106 = arith.cmpi eq, %jit3A_104, %eq3A_105 : i32
    %jit3A_107 = arith.constant 1 : i32
    %select_n3A_108 = arith.select %eq3A_106, %jit3A_107, %jit3A_104 : i32
    %rem3A_109 = vector.broadcast %select_n3A_108 : i32 to vector<16xi32>
    %rem3A_110 = arith.remsi %add3A_21, %rem3A_109 : vector<16xi32>
    %ne3A_111 = arith.constant 0 : i32
    %ne3A_112 = vector.broadcast %ne3A_111 : i32 to vector<16xi32>
    %ne3A_113 = arith.cmpi ne, %rem3A_110, %ne3A_112 : vector<16xi32>
    %lt3A_114 = arith.constant 0 : i32
    %lt3A_115 = vector.broadcast %lt3A_114 : i32 to vector<16xi32>
    %lt3A_116 = arith.cmpi slt, %rem3A_110, %lt3A_115 : vector<16xi32>
    %lt3A_117 = arith.constant 0 : i32
    %lt3A_118 = arith.cmpi slt, %select_n3A_108, %lt3A_117 : i32
    %ne3A_119 = vector.broadcast %lt3A_118 : i1 to vector<16xi1>
    %ne3A_120 = vector.broadcast %ne3A_119 : vector<16xi1> to vector<16xi1>
    %ne3A_121 = arith.xori %lt3A_116, %ne3A_120 : vector<16xi1>
    %and3A_122 = arith.andi %ne3A_121, %ne3A_113 : vector<16xi1>
    %add3A_123 = vector.broadcast %select_n3A_108 : i32 to vector<16xi32>
    %add3A_124 = arith.addi %rem3A_110, %add3A_123 : vector<16xi32>
    %select_n3A_125 = arith.select %and3A_122, %add3A_124, %rem3A_110 : vector<16xi1>, vector<16xi32>
    %dma_start3A = arith.constant 0 : i32
    %dma_start3A_126 = arith.constant 0 : i32
    %dma_start3A_127 = arith.constant 0 : i32
    %dma_start3A_128 = arith.constant 0 : i32
    %dma_start3A_129 = arith.constant 0 : i32
    %dma_start3A_130 = tpu.memref_slice %arg6[%dma_start3A_126, %dma_start3A_128, %dma_start3A_129] : memref<2x512x32xf32, #tpu.memory_space<vmem>> -> memref<1x512x32xf32, #tpu.memory_space<vmem>>
    %dma_start3A_131 = tpu.memref_squeeze %dma_start3A_130 : memref<1x512x32xf32, #tpu.memory_space<vmem>> -> memref<512x32xf32, #tpu.memory_space<vmem>>
    %dma_start3A_132 = arith.constant 0 : i32
    %dma_start3A_133 = tpu.memref_slice %arg5[%dma_start3A, %dma_start3A_132] : memref<50x512xi32, #tpu.memory_space<vmem>> -> memref<1x512xi32, #tpu.memory_space<vmem>>
    %dma_start3A_134 = tpu.memref_squeeze %dma_start3A_133 : memref<1x512xi32, #tpu.memory_space<vmem>> -> memref<512xi32, #tpu.memory_space<vmem>>
    %dma_start3A_135 = arith.constant 0 : i32
    %dma_start3A_136 = arith.constant 0 : i32
    %dma_start3A_137 = tpu.memref_slice %arg3[%dma_start3A_135, %dma_start3A_136] : memref<1000000x32xf32, #tpu.memory_space<hbm>> -> memref<1000000x32xf32, #tpu.memory_space<hbm>>
    %dma_start3A_138 = tpu.memref_slice %arg8[%dma_start3A_127] : memref<2x!tpu.dma_semaphore, #tpu.memory_space<semaphore_mem>> -> memref<1x!tpu.dma_semaphore, #tpu.memory_space<semaphore_mem>>
    %dma_start3A_139 = tpu.memref_squeeze %dma_start3A_138 : memref<1x!tpu.dma_semaphore, #tpu.memory_space<semaphore_mem>> -> memref<!tpu.dma_semaphore, #tpu.memory_space<semaphore_mem>>
    tpu.enqueue_indirect_dma source(%dma_start3A_137 : memref<1000000x32xf32, #tpu.memory_space<hbm>>) target(%dma_start3A_131 : memref<512x32xf32, #tpu.memory_space<vmem>>) offsets(%dma_start3A_134 : memref<512xi32, #tpu.memory_space<vmem>>) semaphore(%dma_start3A_139 : memref<!tpu.dma_semaphore, #tpu.memory_space<semaphore_mem>>)
    %scan3A = arith.constant 0 : i32
    %scan3A_140 = arith.constant 0 : i32
    %scan3A_141 = arith.constant 25 : i32
    %scan3A_142 = arith.addi %scan3A_140, %scan3A_141 : i32
    %scan3A_143 = arith.constant 1 : i32
    scf.for %scan3A_198 = %scan3A_140 to %scan3A_142 step %scan3A_143  : i32 {
      %mul3A_199 = arith.constant 2 : i32
      %mul3A_200 = arith.muli %mul3A_199, %scan3A_198 : i32
      %mul3A_201 = arith.constant 2 : i32
      %mul3A_202 = arith.muli %mul3A_201, %scan3A_198 : i32
      %add3A_203 = arith.constant 1 : i32
      %add3A_204 = arith.addi %mul3A_202, %add3A_203 : i32
      %dma_start3A_205 = arith.constant 1 : i32
      %dma_start3A_206 = arith.constant 1 : i32
      %dma_start3A_207 = arith.constant 0 : i32
      %dma_start3A_208 = arith.constant 0 : i32
      %dma_start3A_209 = tpu.memref_slice %arg6[%dma_start3A_205, %dma_start3A_207, %dma_start3A_208] : memref<2x512x32xf32, #tpu.memory_space<vmem>> -> memref<1x512x32xf32, #tpu.memory_space<vmem>>
      %dma_start3A_210 = tpu.memref_squeeze %dma_start3A_209 : memref<1x512x32xf32, #tpu.memory_space<vmem>> -> memref<512x32xf32, #tpu.memory_space<vmem>>
      %dma_start3A_211 = arith.constant 0 : i32
      %dma_start3A_212 = tpu.memref_slice %arg5[%add3A_204, %dma_start3A_211] : memref<50x512xi32, #tpu.memory_space<vmem>> -> memref<1x512xi32, #tpu.memory_space<vmem>>
      %dma_start3A_213 = tpu.memref_squeeze %dma_start3A_212 : memref<1x512xi32, #tpu.memory_space<vmem>> -> memref<512xi32, #tpu.memory_space<vmem>>
      %dma_start3A_214 = arith.constant 0 : i32
      %dma_start3A_215 = arith.constant 0 : i32
      %dma_start3A_216 = tpu.memref_slice %arg3[%dma_start3A_214, %dma_start3A_215] : memref<1000000x32xf32, #tpu.memory_space<hbm>> -> memref<1000000x32xf32, #tpu.memory_space<hbm>>
      %dma_start3A_217 = tpu.memref_slice %arg8[%dma_start3A_206] : memref<2x!tpu.dma_semaphore, #tpu.memory_space<semaphore_mem>> -> memref<1x!tpu.dma_semaphore, #tpu.memory_space<semaphore_mem>>
      %dma_start3A_218 = tpu.memref_squeeze %dma_start3A_217 : memref<1x!tpu.dma_semaphore, #tpu.memory_space<semaphore_mem>> -> memref<!tpu.dma_semaphore, #tpu.memory_space<semaphore_mem>>
      tpu.enqueue_indirect_dma source(%dma_start3A_216 : memref<1000000x32xf32, #tpu.memory_space<hbm>>) target(%dma_start3A_210 : memref<512x32xf32, #tpu.memory_space<vmem>>) offsets(%dma_start3A_213 : memref<512xi32, #tpu.memory_space<vmem>>) semaphore(%dma_start3A_218 : memref<!tpu.dma_semaphore, #tpu.memory_space<semaphore_mem>>)
      %dma_wait3A_219 = arith.constant 0 : i32
      %dma_wait3A_220 = arith.constant 0 : i32
      %dma_wait3A_221 = arith.constant 0 : i32
      %dma_wait3A_222 = arith.constant 0 : i32
      %dma_wait3A_223 = tpu.memref_slice %arg6[%dma_wait3A_219, %dma_wait3A_221, %dma_wait3A_222] : memref<2x512x32xf32, #tpu.memory_space<vmem>> -> memref<1x512x32xf32, #tpu.memory_space<vmem>>
      %dma_wait3A_224 = tpu.memref_squeeze %dma_wait3A_223 : memref<1x512x32xf32, #tpu.memory_space<vmem>> -> memref<512x32xf32, #tpu.memory_space<vmem>>
      %dma_wait3A_225 = arith.constant 0 : i32
      %dma_wait3A_226 = tpu.memref_slice %arg5[%mul3A_200, %dma_wait3A_225] : memref<50x512xi32, #tpu.memory_space<vmem>> -> memref<1x512xi32, #tpu.memory_space<vmem>>
      %dma_wait3A_227 = tpu.memref_squeeze %dma_wait3A_226 : memref<1x512xi32, #tpu.memory_space<vmem>> -> memref<512xi32, #tpu.memory_space<vmem>>
      %dma_wait3A_228 = arith.constant 0 : i32
      %dma_wait3A_229 = arith.constant 0 : i32
      %dma_wait3A_230 = tpu.memref_slice %arg3[%dma_wait3A_228, %dma_wait3A_229] : memref<1000000x32xf32, #tpu.memory_space<hbm>> -> memref<1000000x32xf32, #tpu.memory_space<hbm>>
      %dma_wait3A_231 = tpu.memref_slice %arg8[%dma_wait3A_220] : memref<2x!tpu.dma_semaphore, #tpu.memory_space<semaphore_mem>> -> memref<1x!tpu.dma_semaphore, #tpu.memory_space<semaphore_mem>>
      %dma_wait3A_232 = tpu.memref_squeeze %dma_wait3A_231 : memref<1x!tpu.dma_semaphore, #tpu.memory_space<semaphore_mem>> -> memref<!tpu.dma_semaphore, #tpu.memory_space<semaphore_mem>>
      tpu.wait_indirect_dma semaphore(%dma_wait3A_232 : memref<!tpu.dma_semaphore, #tpu.memory_space<semaphore_mem>>) src(%dma_wait3A_230 : memref<1000000x32xf32, #tpu.memory_space<hbm>>) dst(%dma_wait3A_224 : memref<512x32xf32, #tpu.memory_space<vmem>>)
      %ge3A = arith.constant 1 : i32
      %ge3A_233 = arith.cmpi sge, %scan3A_198, %ge3A : i32
      %convert_element_type3A = arith.extui %ge3A_233 : i1 to i32
      %cond3A = arith.constant 0 : i32
      %cond3A_234 = arith.cmpi ne, %convert_element_type3A, %cond3A : i32
      scf.if %cond3A_234 {
        %sub3A_329 = arith.constant 2 : i32
        %sub3A_330 = arith.subi %mul3A_200, %sub3A_329 : i32
        %dma_wait3A_331 = arith.constant 0 : i32
        %dma_wait3A_332 = arith.constant 0 : i32
        %dma_wait3A_333 = arith.constant 0 : i32
        %dma_wait3A_334 = arith.constant 0 : i32
        %dma_wait3A_335 = arith.constant 0 : i32
        %dma_wait3A_336 = arith.constant 0 : i32
        %dma_wait3A_337 = tpu.memref_slice %arg7[%dma_wait3A_331, %dma_wait3A_333, %dma_wait3A_334, %dma_wait3A_335, %dma_wait3A_336] : memref<2x4x5x8x136xf32, #tpu.memory_space<vmem>> -> memref<1x4x4x8x128xf32, #tpu.memory_space<vmem>>
        %dma_wait3A_338 = tpu.memref_squeeze %dma_wait3A_337 : memref<1x4x4x8x128xf32, #tpu.memory_space<vmem>> -> memref<4x4x8x128xf32, #tpu.memory_space<vmem>>
        %dma_wait3A_339 = arith.constant 0 : i32
        %dma_wait3A_340 = arith.constant 0 : i32
        %dma_wait3A_341 = arith.constant 0 : i32
        %dma_wait3A_342 = tpu.memref_slice %arg4[%sub3A_330, %dma_wait3A_339, %select_n3A, %dma_wait3A_340, %dma_wait3A_341] : memref<50x4x128x8x128xf32, #tpu.memory_space<hbm>> -> memref<1x4x4x8x128xf32, #tpu.memory_space<hbm>>
        %dma_wait3A_343 = tpu.memref_squeeze %dma_wait3A_342 : memref<1x4x4x8x128xf32, #tpu.memory_space<hbm>> -> memref<4x4x8x128xf32, #tpu.memory_space<hbm>>
        %dma_wait3A_344 = tpu.memref_slice %arg9[%dma_wait3A_332] : memref<2x!tpu.dma_semaphore, #tpu.memory_space<semaphore_mem>> -> memref<1x!tpu.dma_semaphore, #tpu.memory_space<semaphore_mem>>
        %dma_wait3A_345 = tpu.memref_squeeze %dma_wait3A_344 : memref<1x!tpu.dma_semaphore, #tpu.memory_space<semaphore_mem>> -> memref<!tpu.dma_semaphore, #tpu.memory_space<semaphore_mem>>
        %dma_wait3A_346 = arith.constant 0 : i32
        %dma_wait3A_347 = arith.constant 0 : i32
        %dma_wait3A_348 = arith.constant 0 : i32
        %dma_wait3A_349 = tpu.memref_slice %arg4[%sub3A_330, %dma_wait3A_346, %select_n3A, %dma_wait3A_347, %dma_wait3A_348] : memref<50x4x128x8x128xf32, #tpu.memory_space<hbm>> -> memref<1x4x4x8x128xf32, #tpu.memory_space<hbm>>
        %dma_wait3A_350 = tpu.memref_squeeze %dma_wait3A_349 : memref<1x4x4x8x128xf32, #tpu.memory_space<hbm>> -> memref<4x4x8x128xf32, #tpu.memory_space<hbm>>
        %dma_wait3A_351 = arith.constant 0 : i32
        %dma_wait3A_352 = arith.constant 0 : i32
        %dma_wait3A_353 = arith.constant 0 : i32
        %dma_wait3A_354 = arith.constant 0 : i32
        %dma_wait3A_355 = tpu.memref_slice %arg7[%dma_wait3A_331, %dma_wait3A_351, %dma_wait3A_352, %dma_wait3A_353, %dma_wait3A_354] : memref<2x4x5x8x136xf32, #tpu.memory_space<vmem>> -> memref<1x4x4x8x128xf32, #tpu.memory_space<vmem>>
        %dma_wait3A_356 = tpu.memref_squeeze %dma_wait3A_355 : memref<1x4x4x8x128xf32, #tpu.memory_space<vmem>> -> memref<4x4x8x128xf32, #tpu.memory_space<vmem>>
        tpu.wait_dma2 semaphore(%dma_wait3A_345 : memref<!tpu.dma_semaphore, #tpu.memory_space<semaphore_mem>>) src(%dma_wait3A_356 : memref<4x4x8x128xf32, #tpu.memory_space<vmem>>) dst(%dma_wait3A_350 : memref<4x4x8x128xf32, #tpu.memory_space<hbm>>)
      } else {
      }
      %scan3A_235 = arith.constant 0 : i32
      %scan3A_236 = arith.constant 0 : i32
      %scan3A_237 = arith.constant 0 : i32
      %scan3A_238 = arith.constant 0 : i32
      %scan3A_239 = arith.constant 128 : i32
      %scan3A_240 = arith.addi %scan3A_238, %scan3A_239 : i32
      %scan3A_241 = arith.constant 1 : i32
      scf.for %scan3A_329 = %scan3A_238 to %scan3A_240 step %scan3A_241  : i32 {
        %mul3A_330 = arith.constant 4 : i32
        %mul3A_331 = arith.muli %mul3A_330, %scan3A_329 : i32
        %add3A_332 = arith.constant 0 : i32
        %add3A_333 = arith.addi %mul3A_331, %add3A_332 : i32
        %broadcast_in_dim3A = arith.constant 0 : i32
        %broadcast_in_dim3A_334 = vector.broadcast %broadcast_in_dim3A : i32 to vector<16xi32>
        %jit3A_335 = arith.constant 128 : i32
        %div3A_336 = arith.divsi %add3A_333, %jit3A_335 : i32
        %sign3A_337 = arith.constant 0 : i32
        %sign3A_338 = arith.cmpi sgt, %add3A_333, %sign3A_337 : i32
        %sign3A_339 = arith.extui %sign3A_338 : i1 to i32
        %sign3A_340 = arith.constant 0 : i32
        %sign3A_341 = arith.cmpi slt, %add3A_333, %sign3A_340 : i32
        %sign3A_342 = arith.extui %sign3A_341 : i1 to i32
        %sign3A_343 = arith.subi %sign3A_339, %sign3A_342 : i32
        %sign3A_344 = arith.constant 0 : i32
        %sign3A_345 = arith.cmpi sgt, %jit3A_335, %sign3A_344 : i32
        %sign3A_346 = arith.extui %sign3A_345 : i1 to i32
        %sign3A_347 = arith.constant 0 : i32
        %sign3A_348 = arith.cmpi slt, %jit3A_335, %sign3A_347 : i32
        %sign3A_349 = arith.extui %sign3A_348 : i1 to i32
        %sign3A_350 = arith.subi %sign3A_346, %sign3A_349 : i32
        %ne3A_351 = arith.cmpi ne, %sign3A_343, %sign3A_350 : i32
        %rem3A_352 = arith.remsi %add3A_333, %jit3A_335 : i32
        %ne3A_353 = arith.constant 0 : i32
        %ne3A_354 = arith.cmpi ne, %rem3A_352, %ne3A_353 : i32
        %and3A_355 = arith.andi %ne3A_351, %ne3A_354 : i1
        %sub3A_356 = arith.constant 1 : i32
        %sub3A_357 = arith.subi %div3A_336, %sub3A_356 : i32
        %select_n3A_358 = arith.select %and3A_355, %sub3A_357, %div3A_336 : i32
        %add3A_359 = vector.broadcast %select_n3A_358 : i32 to vector<16xi32>
        %add3A_360 = arith.addi %broadcast_in_dim3A_334, %add3A_359 : vector<16xi32>
        %broadcast_in_dim3A_361 = arith.constant 0 : i32
        %broadcast_in_dim3A_362 = vector.broadcast %broadcast_in_dim3A_361 : i32 to vector<16xi32>
        %jit3A_363 = arith.constant 128 : i32
        %eq3A_364 = arith.constant 0 : i32
        %eq3A_365 = arith.cmpi eq, %jit3A_363, %eq3A_364 : i32
        %jit3A_366 = arith.constant 1 : i32
        %select_n3A_367 = arith.select %eq3A_365, %jit3A_366, %jit3A_363 : i32
        %rem3A_368 = arith.remsi %add3A_333, %select_n3A_367 : i32
        %ne3A_369 = arith.constant 0 : i32
        %ne3A_370 = arith.cmpi ne, %rem3A_368, %ne3A_369 : i32
        %lt3A_371 = arith.constant 0 : i32
        %lt3A_372 = arith.cmpi slt, %rem3A_368, %lt3A_371 : i32
        %lt3A_373 = arith.constant 0 : i32
        %lt3A_374 = arith.cmpi slt, %select_n3A_367, %lt3A_373 : i32
        %ne3A_375 = arith.xori %lt3A_372, %lt3A_374 : i1
        %and3A_376 = arith.andi %ne3A_375, %ne3A_370 : i1
        %add3A_377 = arith.addi %rem3A_368, %select_n3A_367 : i32
        %select_n3A_378 = arith.select %and3A_376, %add3A_377, %rem3A_368 : i32
        %add3A_379 = vector.broadcast %select_n3A_378 : i32 to vector<16xi32>
        %add3A_380 = arith.addi %broadcast_in_dim3A_362, %add3A_379 : vector<16xi32>
        %get3A = arith.constant 0 : i32
        %get3A_381 = arith.constant 0 : i32
        %get3A_382 = tpu.memref_slice %arg6[%scan3A_236, %get3A, %get3A_381] : memref<2x512x32xf32, #tpu.memory_space<vmem>> -> memref<1x512x32xf32, #tpu.memory_space<vmem>>
        %get3A_383 = tpu.memref_squeeze %get3A_382 : memref<1x512x32xf32, #tpu.memory_space<vmem>> -> memref<512x32xf32, #tpu.memory_space<vmem>>
        %get3A_384 = arith.index_cast %add3A_333 : i32 to index
        %get3A_385 = arith.constant 0 : index
        %get3A_386 = tpu.vector_load %get3A_383[%get3A_384, %get3A_385] {strides = array<i32>} : memref<512x32xf32, #tpu.memory_space<vmem>>, vector<16xf32>,
        %get3A_387 = arith.constant 0 : i32
        %get3A_388 = arith.constant 0 : i32
        %get3A_389 = tpu.memref_slice %arg6[%scan3A_236, %get3A_387, %get3A_388] : memref<2x512x32xf32, #tpu.memory_space<vmem>> -> memref<1x512x32xf32, #tpu.memory_space<vmem>>
        %get3A_390 = tpu.memref_squeeze %get3A_389 : memref<1x512x32xf32, #tpu.memory_space<vmem>> -> memref<512x32xf32, #tpu.memory_space<vmem>>
        %get3A_391 = arith.index_cast %add3A_333 : i32 to index
        %get3A_392 = arith.constant 16 : index
        %get3A_393 = tpu.vector_load %get3A_390[%get3A_391, %get3A_392] {strides = array<i32>} : memref<512x32xf32, #tpu.memory_space<vmem>>, vector<16xf32>,
        %scatter3A = arith.constant 0 : i32
        %scatter3A_394 = arith.constant 0 : i32
        %scatter3A_395 = arith.constant 0 : i32
        %scatter3A_396 = arith.constant 0 : i32
        %scatter3A_397 = tpu.memref_slice %arg7[%scan3A_237, %scatter3A, %scatter3A_394, %scatter3A_395, %scatter3A_396] : memref<2x4x5x8x136xf32, #tpu.memory_space<vmem>> -> memref<1x4x5x8x136xf32, #tpu.memory_space<vmem>>
        %scatter3A_398 = tpu.memref_squeeze %scatter3A_397 : memref<1x4x5x8x136xf32, #tpu.memory_space<vmem>> -> memref<4x5x8x136xf32, #tpu.memory_space<vmem>>
        tpu.vector_store_idx %scatter3A_398[%select_n3A_52, %add3A_360, %select_n3A_72, %add3A_380], %get3A_386 : memref<4x5x8x136xf32, #tpu.memory_space<vmem>>[vector<16xi32>, vector<16xi32>, vector<16xi32>, vector<16xi32>], vector<16xf32>,
        %scatter3A_399 = arith.constant 0 : i32
        %scatter3A_400 = arith.constant 0 : i32
        %scatter3A_401 = arith.constant 0 : i32
        %scatter3A_402 = arith.constant 0 : i32
        %scatter3A_403 = tpu.memref_slice %arg7[%scan3A_237, %scatter3A_399, %scatter3A_400, %scatter3A_401, %scatter3A_402] : memref<2x4x5x8x136xf32, #tpu.memory_space<vmem>> -> memref<1x4x5x8x136xf32, #tpu.memory_space<vmem>>
        %scatter3A_404 = tpu.memref_squeeze %scatter3A_403 : memref<1x4x5x8x136xf32, #tpu.memory_space<vmem>> -> memref<4x5x8x136xf32, #tpu.memory_space<vmem>>
        tpu.vector_store_idx %scatter3A_404[%select_n3A_103, %add3A_360, %select_n3A_125, %add3A_380], %get3A_393 : memref<4x5x8x136xf32, #tpu.memory_space<vmem>>[vector<16xi32>, vector<16xi32>, vector<16xi32>, vector<16xi32>], vector<16xf32>,
        %mul3A_405 = arith.constant 4 : i32
        %mul3A_406 = arith.muli %mul3A_405, %scan3A_329 : i32
        %add3A_407 = arith.constant 1 : i32
        %add3A_408 = arith.addi %mul3A_406, %add3A_407 : i32
        %broadcast_in_dim3A_409 = arith.constant 0 : i32
        %broadcast_in_dim3A_410 = vector.broadcast %broadcast_in_dim3A_409 : i32 to vector<16xi32>
        %jit3A_411 = arith.constant 128 : i32
        %div3A_412 = arith.divsi %add3A_408, %jit3A_411 : i32
        %sign3A_413 = arith.constant 0 : i32
        %sign3A_414 = arith.cmpi sgt, %add3A_408, %sign3A_413 : i32
        %sign3A_415 = arith.extui %sign3A_414 : i1 to i32
        %sign3A_416 = arith.constant 0 : i32
        %sign3A_417 = arith.cmpi slt, %add3A_408, %sign3A_416 : i32
        %sign3A_418 = arith.extui %sign3A_417 : i1 to i32
        %sign3A_419 = arith.subi %sign3A_415, %sign3A_418 : i32
        %sign3A_420 = arith.constant 0 : i32
        %sign3A_421 = arith.cmpi sgt, %jit3A_411, %sign3A_420 : i32
        %sign3A_422 = arith.extui %sign3A_421 : i1 to i32
        %sign3A_423 = arith.constant 0 : i32
        %sign3A_424 = arith.cmpi slt, %jit3A_411, %sign3A_423 : i32
        %sign3A_425 = arith.extui %sign3A_424 : i1 to i32
        %sign3A_426 = arith.subi %sign3A_422, %sign3A_425 : i32
        %ne3A_427 = arith.cmpi ne, %sign3A_419, %sign3A_426 : i32
        %rem3A_428 = arith.remsi %add3A_408, %jit3A_411 : i32
        %ne3A_429 = arith.constant 0 : i32
        %ne3A_430 = arith.cmpi ne, %rem3A_428, %ne3A_429 : i32
        %and3A_431 = arith.andi %ne3A_427, %ne3A_430 : i1
        %sub3A_432 = arith.constant 1 : i32
        %sub3A_433 = arith.subi %div3A_412, %sub3A_432 : i32
        %select_n3A_434 = arith.select %and3A_431, %sub3A_433, %div3A_412 : i32
        %add3A_435 = vector.broadcast %select_n3A_434 : i32 to vector<16xi32>
        %add3A_436 = arith.addi %broadcast_in_dim3A_410, %add3A_435 : vector<16xi32>
        %broadcast_in_dim3A_437 = arith.constant 0 : i32
        %broadcast_in_dim3A_438 = vector.broadcast %broadcast_in_dim3A_437 : i32 to vector<16xi32>
        %jit3A_439 = arith.constant 128 : i32
        %eq3A_440 = arith.constant 0 : i32
        %eq3A_441 = arith.cmpi eq, %jit3A_439, %eq3A_440 : i32
        %jit3A_442 = arith.constant 1 : i32
        %select_n3A_443 = arith.select %eq3A_441, %jit3A_442, %jit3A_439 : i32
        %rem3A_444 = arith.remsi %add3A_408, %select_n3A_443 : i32
        %ne3A_445 = arith.constant 0 : i32
        %ne3A_446 = arith.cmpi ne, %rem3A_444, %ne3A_445 : i32
        %lt3A_447 = arith.constant 0 : i32
        %lt3A_448 = arith.cmpi slt, %rem3A_444, %lt3A_447 : i32
        %lt3A_449 = arith.constant 0 : i32
        %lt3A_450 = arith.cmpi slt, %select_n3A_443, %lt3A_449 : i32
        %ne3A_451 = arith.xori %lt3A_448, %lt3A_450 : i1
        %and3A_452 = arith.andi %ne3A_451, %ne3A_446 : i1
        %add3A_453 = arith.addi %rem3A_444, %select_n3A_443 : i32
        %select_n3A_454 = arith.select %and3A_452, %add3A_453, %rem3A_444 : i32
        %add3A_455 = vector.broadcast %select_n3A_454 : i32 to vector<16xi32>
        %add3A_456 = arith.addi %broadcast_in_dim3A_438, %add3A_455 : vector<16xi32>
        %get3A_457 = arith.constant 0 : i32
        %get3A_458 = arith.constant 0 : i32
        %get3A_459 = tpu.memref_slice %arg6[%scan3A_236, %get3A_457, %get3A_458] : memref<2x512x32xf32, #tpu.memory_space<vmem>> -> memref<1x512x32xf32, #tpu.memory_space<vmem>>
        %get3A_460 = tpu.memref_squeeze %get3A_459 : memref<1x512x32xf32, #tpu.memory_space<vmem>> -> memref<512x32xf32, #tpu.memory_space<vmem>>
        %get3A_461 = arith.index_cast %add3A_408 : i32 to index
        %get3A_462 = arith.constant 0 : index
        %get3A_463 = tpu.vector_load %get3A_460[%get3A_461, %get3A_462] {strides = array<i32>} : memref<512x32xf32, #tpu.memory_space<vmem>>, vector<16xf32>,
        %get3A_464 = arith.constant 0 : i32
        %get3A_465 = arith.constant 0 : i32
        %get3A_466 = tpu.memref_slice %arg6[%scan3A_236, %get3A_464, %get3A_465] : memref<2x512x32xf32, #tpu.memory_space<vmem>> -> memref<1x512x32xf32, #tpu.memory_space<vmem>>
        %get3A_467 = tpu.memref_squeeze %get3A_466 : memref<1x512x32xf32, #tpu.memory_space<vmem>> -> memref<512x32xf32, #tpu.memory_space<vmem>>
        %get3A_468 = arith.index_cast %add3A_408 : i32 to index
        %get3A_469 = arith.constant 16 : index
        %get3A_470 = tpu.vector_load %get3A_467[%get3A_468, %get3A_469] {strides = array<i32>} : memref<512x32xf32, #tpu.memory_space<vmem>>, vector<16xf32>,
        %scatter3A_471 = arith.constant 0 : i32
        %scatter3A_472 = arith.constant 0 : i32
        %scatter3A_473 = arith.constant 0 : i32
        %scatter3A_474 = arith.constant 0 : i32
        %scatter3A_475 = tpu.memref_slice %arg7[%scan3A_237, %scatter3A_471, %scatter3A_472, %scatter3A_473, %scatter3A_474] : memref<2x4x5x8x136xf32, #tpu.memory_space<vmem>> -> memref<1x4x5x8x136xf32, #tpu.memory_space<vmem>>
        %scatter3A_476 = tpu.memref_squeeze %scatter3A_475 : memref<1x4x5x8x136xf32, #tpu.memory_space<vmem>> -> memref<4x5x8x136xf32, #tpu.memory_space<vmem>>
        tpu.vector_store_idx %scatter3A_476[%select_n3A_52, %add3A_436, %select_n3A_72, %add3A_456], %get3A_463 : memref<4x5x8x136xf32, #tpu.memory_space<vmem>>[vector<16xi32>, vector<16xi32>, vector<16xi32>, vector<16xi32>], vector<16xf32>,
        %scatter3A_477 = arith.constant 0 : i32
        %scatter3A_478 = arith.constant 0 : i32
        %scatter3A_479 = arith.constant 0 : i32
        %scatter3A_480 = arith.constant 0 : i32
        %scatter3A_481 = tpu.memref_slice %arg7[%scan3A_237, %scatter3A_477, %scatter3A_478, %scatter3A_479, %scatter3A_480] : memref<2x4x5x8x136xf32, #tpu.memory_space<vmem>> -> memref<1x4x5x8x136xf32, #tpu.memory_space<vmem>>
        %scatter3A_482 = tpu.memref_squeeze %scatter3A_481 : memref<1x4x5x8x136xf32, #tpu.memory_space<vmem>> -> memref<4x5x8x136xf32, #tpu.memory_space<vmem>>
        tpu.vector_store_idx %scatter3A_482[%select_n3A_103, %add3A_436, %select_n3A_125, %add3A_456], %get3A_470 : memref<4x5x8x136xf32, #tpu.memory_space<vmem>>[vector<16xi32>, vector<16xi32>, vector<16xi32>, vector<16xi32>], vector<16xf32>,
        %mul3A_483 = arith.constant 4 : i32
        %mul3A_484 = arith.muli %mul3A_483, %scan3A_329 : i32
        %add3A_485 = arith.constant 2 : i32
        %add3A_486 = arith.addi %mul3A_484, %add3A_485 : i32
        %broadcast_in_dim3A_487 = arith.constant 0 : i32
        %broadcast_in_dim3A_488 = vector.broadcast %broadcast_in_dim3A_487 : i32 to vector<16xi32>
        %jit3A_489 = arith.constant 128 : i32
        %div3A_490 = arith.divsi %add3A_486, %jit3A_489 : i32
        %sign3A_491 = arith.constant 0 : i32
        %sign3A_492 = arith.cmpi sgt, %add3A_486, %sign3A_491 : i32
        %sign3A_493 = arith.extui %sign3A_492 : i1 to i32
        %sign3A_494 = arith.constant 0 : i32
        %sign3A_495 = arith.cmpi slt, %add3A_486, %sign3A_494 : i32
        %sign3A_496 = arith.extui %sign3A_495 : i1 to i32
        %sign3A_497 = arith.subi %sign3A_493, %sign3A_496 : i32
        %sign3A_498 = arith.constant 0 : i32
        %sign3A_499 = arith.cmpi sgt, %jit3A_489, %sign3A_498 : i32
        %sign3A_500 = arith.extui %sign3A_499 : i1 to i32
        %sign3A_501 = arith.constant 0 : i32
        %sign3A_502 = arith.cmpi slt, %jit3A_489, %sign3A_501 : i32
        %sign3A_503 = arith.extui %sign3A_502 : i1 to i32
        %sign3A_504 = arith.subi %sign3A_500, %sign3A_503 : i32
        %ne3A_505 = arith.cmpi ne, %sign3A_497, %sign3A_504 : i32
        %rem3A_506 = arith.remsi %add3A_486, %jit3A_489 : i32
        %ne3A_507 = arith.constant 0 : i32
        %ne3A_508 = arith.cmpi ne, %rem3A_506, %ne3A_507 : i32
        %and3A_509 = arith.andi %ne3A_505, %ne3A_508 : i1
        %sub3A_510 = arith.constant 1 : i32
        %sub3A_511 = arith.subi %div3A_490, %sub3A_510 : i32
        %select_n3A_512 = arith.select %and3A_509, %sub3A_511, %div3A_490 : i32
        %add3A_513 = vector.broadcast %select_n3A_512 : i32 to vector<16xi32>
        %add3A_514 = arith.addi %broadcast_in_dim3A_488, %add3A_513 : vector<16xi32>
        %broadcast_in_dim3A_515 = arith.constant 0 : i32
        %broadcast_in_dim3A_516 = vector.broadcast %broadcast_in_dim3A_515 : i32 to vector<16xi32>
        %jit3A_517 = arith.constant 128 : i32
        %eq3A_518 = arith.constant 0 : i32
        %eq3A_519 = arith.cmpi eq, %jit3A_517, %eq3A_518 : i32
        %jit3A_520 = arith.constant 1 : i32
        %select_n3A_521 = arith.select %eq3A_519, %jit3A_520, %jit3A_517 : i32
        %rem3A_522 = arith.remsi %add3A_486, %select_n3A_521 : i32
        %ne3A_523 = arith.constant 0 : i32
        %ne3A_524 = arith.cmpi ne, %rem3A_522, %ne3A_523 : i32
        %lt3A_525 = arith.constant 0 : i32
        %lt3A_526 = arith.cmpi slt, %rem3A_522, %lt3A_525 : i32
        %lt3A_527 = arith.constant 0 : i32
        %lt3A_528 = arith.cmpi slt, %select_n3A_521, %lt3A_527 : i32
        %ne3A_529 = arith.xori %lt3A_526, %lt3A_528 : i1
        %and3A_530 = arith.andi %ne3A_529, %ne3A_524 : i1
        %add3A_531 = arith.addi %rem3A_522, %select_n3A_521 : i32
        %select_n3A_532 = arith.select %and3A_530, %add3A_531, %rem3A_522 : i32
        %add3A_533 = vector.broadcast %select_n3A_532 : i32 to vector<16xi32>
        %add3A_534 = arith.addi %broadcast_in_dim3A_516, %add3A_533 : vector<16xi32>
        %get3A_535 = arith.constant 0 : i32
        %get3A_536 = arith.constant 0 : i32
        %get3A_537 = tpu.memref_slice %arg6[%scan3A_236, %get3A_535, %get3A_536] : memref<2x512x32xf32, #tpu.memory_space<vmem>> -> memref<1x512x32xf32, #tpu.memory_space<vmem>>
        %get3A_538 = tpu.memref_squeeze %get3A_537 : memref<1x512x32xf32, #tpu.memory_space<vmem>> -> memref<512x32xf32, #tpu.memory_space<vmem>>
        %get3A_539 = arith.index_cast %add3A_486 : i32 to index
        %get3A_540 = arith.constant 0 : index
        %get3A_541 = tpu.vector_load %get3A_538[%get3A_539, %get3A_540] {strides = array<i32>} : memref<512x32xf32, #tpu.memory_space<vmem>>, vector<16xf32>,
        %get3A_542 = arith.constant 0 : i32
        %get3A_543 = arith.constant 0 : i32
        %get3A_544 = tpu.memref_slice %arg6[%scan3A_236, %get3A_542, %get3A_543] : memref<2x512x32xf32, #tpu.memory_space<vmem>> -> memref<1x512x32xf32, #tpu.memory_space<vmem>>
        %get3A_545 = tpu.memref_squeeze %get3A_544 : memref<1x512x32xf32, #tpu.memory_space<vmem>> -> memref<512x32xf32, #tpu.memory_space<vmem>>
        %get3A_546 = arith.index_cast %add3A_486 : i32 to index
        %get3A_547 = arith.constant 16 : index
        %get3A_548 = tpu.vector_load %get3A_545[%get3A_546, %get3A_547] {strides = array<i32>} : memref<512x32xf32, #tpu.memory_space<vmem>>, vector<16xf32>,
        %scatter3A_549 = arith.constant 0 : i32
        %scatter3A_550 = arith.constant 0 : i32
        %scatter3A_551 = arith.constant 0 : i32
        %scatter3A_552 = arith.constant 0 : i32
        %scatter3A_553 = tpu.memref_slice %arg7[%scan3A_237, %scatter3A_549, %scatter3A_550, %scatter3A_551, %scatter3A_552] : memref<2x4x5x8x136xf32, #tpu.memory_space<vmem>> -> memref<1x4x5x8x136xf32, #tpu.memory_space<vmem>>
        %scatter3A_554 = tpu.memref_squeeze %scatter3A_553 : memref<1x4x5x8x136xf32, #tpu.memory_space<vmem>> -> memref<4x5x8x136xf32, #tpu.memory_space<vmem>>
        tpu.vector_store_idx %scatter3A_554[%select_n3A_52, %add3A_514, %select_n3A_72, %add3A_534], %get3A_541 : memref<4x5x8x136xf32, #tpu.memory_space<vmem>>[vector<16xi32>, vector<16xi32>, vector<16xi32>, vector<16xi32>], vector<16xf32>,
        %scatter3A_555 = arith.constant 0 : i32
        %scatter3A_556 = arith.constant 0 : i32
        %scatter3A_557 = arith.constant 0 : i32
        %scatter3A_558 = arith.constant 0 : i32
        %scatter3A_559 = tpu.memref_slice %arg7[%scan3A_237, %scatter3A_555, %scatter3A_556, %scatter3A_557, %scatter3A_558] : memref<2x4x5x8x136xf32, #tpu.memory_space<vmem>> -> memref<1x4x5x8x136xf32, #tpu.memory_space<vmem>>
        %scatter3A_560 = tpu.memref_squeeze %scatter3A_559 : memref<1x4x5x8x136xf32, #tpu.memory_space<vmem>> -> memref<4x5x8x136xf32, #tpu.memory_space<vmem>>
        tpu.vector_store_idx %scatter3A_560[%select_n3A_103, %add3A_514, %select_n3A_125, %add3A_534], %get3A_548 : memref<4x5x8x136xf32, #tpu.memory_space<vmem>>[vector<16xi32>, vector<16xi32>, vector<16xi32>, vector<16xi32>], vector<16xf32>,
        %mul3A_561 = arith.constant 4 : i32
        %mul3A_562 = arith.muli %mul3A_561, %scan3A_329 : i32
        %add3A_563 = arith.constant 3 : i32
        %add3A_564 = arith.addi %mul3A_562, %add3A_563 : i32
        %broadcast_in_dim3A_565 = arith.constant 0 : i32
        %broadcast_in_dim3A_566 = vector.broadcast %broadcast_in_dim3A_565 : i32 to vector<16xi32>
        %jit3A_567 = arith.constant 128 : i32
        %div3A_568 = arith.divsi %add3A_564, %jit3A_567 : i32
        %sign3A_569 = arith.constant 0 : i32
        %sign3A_570 = arith.cmpi sgt, %add3A_564, %sign3A_569 : i32
        %sign3A_571 = arith.extui %sign3A_570 : i1 to i32
        %sign3A_572 = arith.constant 0 : i32
        %sign3A_573 = arith.cmpi slt, %add3A_564, %sign3A_572 : i32
        %sign3A_574 = arith.extui %sign3A_573 : i1 to i32
        %sign3A_575 = arith.subi %sign3A_571, %sign3A_574 : i32
        %sign3A_576 = arith.constant 0 : i32
        %sign3A_577 = arith.cmpi sgt, %jit3A_567, %sign3A_576 : i32
        %sign3A_578 = arith.extui %sign3A_577 : i1 to i32
        %sign3A_579 = arith.constant 0 : i32
        %sign3A_580 = arith.cmpi slt, %jit3A_567, %sign3A_579 : i32
        %sign3A_581 = arith.extui %sign3A_580 : i1 to i32
        %sign3A_582 = arith.subi %sign3A_578, %sign3A_581 : i32
        %ne3A_583 = arith.cmpi ne, %sign3A_575, %sign3A_582 : i32
        %rem3A_584 = arith.remsi %add3A_564, %jit3A_567 : i32
        %ne3A_585 = arith.constant 0 : i32
        %ne3A_586 = arith.cmpi ne, %rem3A_584, %ne3A_585 : i32
        %and3A_587 = arith.andi %ne3A_583, %ne3A_586 : i1
        %sub3A_588 = arith.constant 1 : i32
        %sub3A_589 = arith.subi %div3A_568, %sub3A_588 : i32
        %select_n3A_590 = arith.select %and3A_587, %sub3A_589, %div3A_568 : i32
        %add3A_591 = vector.broadcast %select_n3A_590 : i32 to vector<16xi32>
        %add3A_592 = arith.addi %broadcast_in_dim3A_566, %add3A_591 : vector<16xi32>
        %broadcast_in_dim3A_593 = arith.constant 0 : i32
        %broadcast_in_dim3A_594 = vector.broadcast %broadcast_in_dim3A_593 : i32 to vector<16xi32>
        %jit3A_595 = arith.constant 128 : i32
        %eq3A_596 = arith.constant 0 : i32
        %eq3A_597 = arith.cmpi eq, %jit3A_595, %eq3A_596 : i32
        %jit3A_598 = arith.constant 1 : i32
        %select_n3A_599 = arith.select %eq3A_597, %jit3A_598, %jit3A_595 : i32
        %rem3A_600 = arith.remsi %add3A_564, %select_n3A_599 : i32
        %ne3A_601 = arith.constant 0 : i32
        %ne3A_602 = arith.cmpi ne, %rem3A_600, %ne3A_601 : i32
        %lt3A_603 = arith.constant 0 : i32
        %lt3A_604 = arith.cmpi slt, %rem3A_600, %lt3A_603 : i32
        %lt3A_605 = arith.constant 0 : i32
        %lt3A_606 = arith.cmpi slt, %select_n3A_599, %lt3A_605 : i32
        %ne3A_607 = arith.xori %lt3A_604, %lt3A_606 : i1
        %and3A_608 = arith.andi %ne3A_607, %ne3A_602 : i1
        %add3A_609 = arith.addi %rem3A_600, %select_n3A_599 : i32
        %select_n3A_610 = arith.select %and3A_608, %add3A_609, %rem3A_600 : i32
        %add3A_611 = vector.broadcast %select_n3A_610 : i32 to vector<16xi32>
        %add3A_612 = arith.addi %broadcast_in_dim3A_594, %add3A_611 : vector<16xi32>
        %get3A_613 = arith.constant 0 : i32
        %get3A_614 = arith.constant 0 : i32
        %get3A_615 = tpu.memref_slice %arg6[%scan3A_236, %get3A_613, %get3A_614] : memref<2x512x32xf32, #tpu.memory_space<vmem>> -> memref<1x512x32xf32, #tpu.memory_space<vmem>>
        %get3A_616 = tpu.memref_squeeze %get3A_615 : memref<1x512x32xf32, #tpu.memory_space<vmem>> -> memref<512x32xf32, #tpu.memory_space<vmem>>
        %get3A_617 = arith.index_cast %add3A_564 : i32 to index
        %get3A_618 = arith.constant 0 : index
        %get3A_619 = tpu.vector_load %get3A_616[%get3A_617, %get3A_618] {strides = array<i32>} : memref<512x32xf32, #tpu.memory_space<vmem>>, vector<16xf32>,
        %get3A_620 = arith.constant 0 : i32
        %get3A_621 = arith.constant 0 : i32
        %get3A_622 = tpu.memref_slice %arg6[%scan3A_236, %get3A_620, %get3A_621] : memref<2x512x32xf32, #tpu.memory_space<vmem>> -> memref<1x512x32xf32, #tpu.memory_space<vmem>>
        %get3A_623 = tpu.memref_squeeze %get3A_622 : memref<1x512x32xf32, #tpu.memory_space<vmem>> -> memref<512x32xf32, #tpu.memory_space<vmem>>
        %get3A_624 = arith.index_cast %add3A_564 : i32 to index
        %get3A_625 = arith.constant 16 : index
        %get3A_626 = tpu.vector_load %get3A_623[%get3A_624, %get3A_625] {strides = array<i32>} : memref<512x32xf32, #tpu.memory_space<vmem>>, vector<16xf32>,
        %scatter3A_627 = arith.constant 0 : i32
        %scatter3A_628 = arith.constant 0 : i32
        %scatter3A_629 = arith.constant 0 : i32
        %scatter3A_630 = arith.constant 0 : i32
        %scatter3A_631 = tpu.memref_slice %arg7[%scan3A_237, %scatter3A_627, %scatter3A_628, %scatter3A_629, %scatter3A_630] : memref<2x4x5x8x136xf32, #tpu.memory_space<vmem>> -> memref<1x4x5x8x136xf32, #tpu.memory_space<vmem>>
        %scatter3A_632 = tpu.memref_squeeze %scatter3A_631 : memref<1x4x5x8x136xf32, #tpu.memory_space<vmem>> -> memref<4x5x8x136xf32, #tpu.memory_space<vmem>>
        tpu.vector_store_idx %scatter3A_632[%select_n3A_52, %add3A_592, %select_n3A_72, %add3A_612], %get3A_619 : memref<4x5x8x136xf32, #tpu.memory_space<vmem>>[vector<16xi32>, vector<16xi32>, vector<16xi32>, vector<16xi32>], vector<16xf32>,
        %scatter3A_633 = arith.constant 0 : i32
        %scatter3A_634 = arith.constant 0 : i32
        %scatter3A_635 = arith.constant 0 : i32
        %scatter3A_636 = arith.constant 0 : i32
        %scatter3A_637 = tpu.memref_slice %arg7[%scan3A_237, %scatter3A_633, %scatter3A_634, %scatter3A_635, %scatter3A_636] : memref<2x4x5x8x136xf32, #tpu.memory_space<vmem>> -> memref<1x4x5x8x136xf32, #tpu.memory_space<vmem>>
        %scatter3A_638 = tpu.memref_squeeze %scatter3A_637 : memref<1x4x5x8x136xf32, #tpu.memory_space<vmem>> -> memref<4x5x8x136xf32, #tpu.memory_space<vmem>>
        tpu.vector_store_idx %scatter3A_638[%select_n3A_103, %add3A_592, %select_n3A_125, %add3A_612], %get3A_626 : memref<4x5x8x136xf32, #tpu.memory_space<vmem>>[vector<16xi32>, vector<16xi32>, vector<16xi32>, vector<16xi32>], vector<16xf32>,
      }
      %scan3A_242 = arith.constant 128 : i32
      %dma_start3A_243 = arith.constant 0 : i32
      %dma_start3A_244 = arith.constant 0 : i32
      %dma_start3A_245 = arith.constant 0 : i32
      %dma_start3A_246 = arith.constant 0 : i32
      %dma_start3A_247 = arith.constant 0 : i32
      %dma_start3A_248 = arith.constant 0 : i32
      %dma_start3A_249 = tpu.memref_slice %arg7[%dma_start3A_243, %dma_start3A_245, %dma_start3A_246, %dma_start3A_247, %dma_start3A_248] : memref<2x4x5x8x136xf32, #tpu.memory_space<vmem>> -> memref<1x4x4x8x128xf32, #tpu.memory_space<vmem>>
      %dma_start3A_250 = tpu.memref_squeeze %dma_start3A_249 : memref<1x4x4x8x128xf32, #tpu.memory_space<vmem>> -> memref<4x4x8x128xf32, #tpu.memory_space<vmem>>
      %dma_start3A_251 = arith.constant 0 : i32
      %dma_start3A_252 = arith.constant 0 : i32
      %dma_start3A_253 = arith.constant 0 : i32
      %dma_start3A_254 = tpu.memref_slice %arg4[%mul3A_200, %dma_start3A_251, %select_n3A, %dma_start3A_252, %dma_start3A_253] : memref<50x4x128x8x128xf32, #tpu.memory_space<hbm>> -> memref<1x4x4x8x128xf32, #tpu.memory_space<hbm>>
      %dma_start3A_255 = tpu.memref_squeeze %dma_start3A_254 : memref<1x4x4x8x128xf32, #tpu.memory_space<hbm>> -> memref<4x4x8x128xf32, #tpu.memory_space<hbm>>
      %dma_start3A_256 = tpu.memref_slice %arg9[%dma_start3A_244] : memref<2x!tpu.dma_semaphore, #tpu.memory_space<semaphore_mem>> -> memref<1x!tpu.dma_semaphore, #tpu.memory_space<semaphore_mem>>
      %dma_start3A_257 = tpu.memref_squeeze %dma_start3A_256 : memref<1x!tpu.dma_semaphore, #tpu.memory_space<semaphore_mem>> -> memref<!tpu.dma_semaphore, #tpu.memory_space<semaphore_mem>>
      %dma_start3A_258 = arith.constant 0 : i32
      %dma_start3A_259 = arith.constant 0 : i32
      %dma_start3A_260 = arith.constant 0 : i32
      %dma_start3A_261 = tpu.memref_slice %arg4[%mul3A_200, %dma_start3A_258, %select_n3A, %dma_start3A_259, %dma_start3A_260] : memref<50x4x128x8x128xf32, #tpu.memory_space<hbm>> -> memref<1x4x4x8x128xf32, #tpu.memory_space<hbm>>
      %dma_start3A_262 = tpu.memref_squeeze %dma_start3A_261 : memref<1x4x4x8x128xf32, #tpu.memory_space<hbm>> -> memref<4x4x8x128xf32, #tpu.memory_space<hbm>>
      %dma_start3A_263 = arith.constant 0 : i32
      %dma_start3A_264 = arith.constant 0 : i32
      %dma_start3A_265 = arith.constant 0 : i32
      %dma_start3A_266 = arith.constant 0 : i32
      %dma_start3A_267 = tpu.memref_slice %arg7[%dma_start3A_243, %dma_start3A_263, %dma_start3A_264, %dma_start3A_265, %dma_start3A_266] : memref<2x4x5x8x136xf32, #tpu.memory_space<vmem>> -> memref<1x4x4x8x128xf32, #tpu.memory_space<vmem>>
      %dma_start3A_268 = tpu.memref_squeeze %dma_start3A_267 : memref<1x4x4x8x128xf32, #tpu.memory_space<vmem>> -> memref<4x4x8x128xf32, #tpu.memory_space<vmem>>
      tpu.enqueue_dma source(%dma_start3A_268 : memref<4x4x8x128xf32, #tpu.memory_space<vmem>>) target(%dma_start3A_262 : memref<4x4x8x128xf32, #tpu.memory_space<hbm>>) target_semaphore(%dma_start3A_257 : memref<!tpu.dma_semaphore, #tpu.memory_space<semaphore_mem>>)
      %add3A_269 = arith.constant 1 : i32
      %add3A_270 = arith.addi %add3A_204, %add3A_269 : i32
      %lt3A_271 = arith.constant 50 : i32
      %lt3A_272 = arith.cmpi slt, %add3A_270, %lt3A_271 : i32
      %convert_element_type3A_273 = arith.extui %lt3A_272 : i1 to i32
      %cond3A_274 = arith.constant 0 : i32
      %cond3A_275 = arith.cmpi ne, %convert_element_type3A_273, %cond3A_274 : i32
      scf.if %cond3A_275 {
        %add3A_329 = arith.constant 1 : i32
        %add3A_330 = arith.addi %add3A_204, %add3A_329 : i32
        %dma_start3A_331 = arith.constant 0 : i32
        %dma_start3A_332 = arith.constant 0 : i32
        %dma_start3A_333 = arith.constant 0 : i32
        %dma_start3A_334 = arith.constant 0 : i32
        %dma_start3A_335 = tpu.memref_slice %arg6[%dma_start3A_331, %dma_start3A_333, %dma_start3A_334] : memref<2x512x32xf32, #tpu.memory_space<vmem>> -> memref<1x512x32xf32, #tpu.memory_space<vmem>>
        %dma_start3A_336 = tpu.memref_squeeze %dma_start3A_335 : memref<1x512x32xf32, #tpu.memory_space<vmem>> -> memref<512x32xf32, #tpu.memory_space<vmem>>
        %dma_start3A_337 = arith.constant 0 : i32
        %dma_start3A_338 = tpu.memref_slice %arg5[%add3A_330, %dma_start3A_337] : memref<50x512xi32, #tpu.memory_space<vmem>> -> memref<1x512xi32, #tpu.memory_space<vmem>>
        %dma_start3A_339 = tpu.memref_squeeze %dma_start3A_338 : memref<1x512xi32, #tpu.memory_space<vmem>> -> memref<512xi32, #tpu.memory_space<vmem>>
        %dma_start3A_340 = arith.constant 0 : i32
        %dma_start3A_341 = arith.constant 0 : i32
        %dma_start3A_342 = tpu.memref_slice %arg3[%dma_start3A_340, %dma_start3A_341] : memref<1000000x32xf32, #tpu.memory_space<hbm>> -> memref<1000000x32xf32, #tpu.memory_space<hbm>>
        %dma_start3A_343 = tpu.memref_slice %arg8[%dma_start3A_332] : memref<2x!tpu.dma_semaphore, #tpu.memory_space<semaphore_mem>> -> memref<1x!tpu.dma_semaphore, #tpu.memory_space<semaphore_mem>>
        %dma_start3A_344 = tpu.memref_squeeze %dma_start3A_343 : memref<1x!tpu.dma_semaphore, #tpu.memory_space<semaphore_mem>> -> memref<!tpu.dma_semaphore, #tpu.memory_space<semaphore_mem>>
        tpu.enqueue_indirect_dma source(%dma_start3A_342 : memref<1000000x32xf32, #tpu.memory_space<hbm>>) target(%dma_start3A_336 : memref<512x32xf32, #tpu.memory_space<vmem>>) offsets(%dma_start3A_339 : memref<512xi32, #tpu.memory_space<vmem>>) semaphore(%dma_start3A_344 : memref<!tpu.dma_semaphore, #tpu.memory_space<semaphore_mem>>)
      } else {
      }
      %dma_wait3A_276 = arith.constant 1 : i32
      %dma_wait3A_277 = arith.constant 1 : i32
      %dma_wait3A_278 = arith.constant 0 : i32
      %dma_wait3A_279 = arith.constant 0 : i32
      %dma_wait3A_280 = tpu.memref_slice %arg6[%dma_wait3A_276, %dma_wait3A_278, %dma_wait3A_279] : memref<2x512x32xf32, #tpu.memory_space<vmem>> -> memref<1x512x32xf32, #tpu.memory_space<vmem>>
      %dma_wait3A_281 = tpu.memref_squeeze %dma_wait3A_280 : memref<1x512x32xf32, #tpu.memory_space<vmem>> -> memref<512x32xf32, #tpu.memory_space<vmem>>
      %dma_wait3A_282 = arith.constant 0 : i32
      %dma_wait3A_283 = tpu.memref_slice %arg5[%add3A_204, %dma_wait3A_282] : memref<50x512xi32, #tpu.memory_space<vmem>> -> memref<1x512xi32, #tpu.memory_space<vmem>>
      %dma_wait3A_284 = tpu.memref_squeeze %dma_wait3A_283 : memref<1x512xi32, #tpu.memory_space<vmem>> -> memref<512xi32, #tpu.memory_space<vmem>>
      %dma_wait3A_285 = arith.constant 0 : i32
      %dma_wait3A_286 = arith.constant 0 : i32
      %dma_wait3A_287 = tpu.memref_slice %arg3[%dma_wait3A_285, %dma_wait3A_286] : memref<1000000x32xf32, #tpu.memory_space<hbm>> -> memref<1000000x32xf32, #tpu.memory_space<hbm>>
      %dma_wait3A_288 = tpu.memref_slice %arg8[%dma_wait3A_277] : memref<2x!tpu.dma_semaphore, #tpu.memory_space<semaphore_mem>> -> memref<1x!tpu.dma_semaphore, #tpu.memory_space<semaphore_mem>>
      %dma_wait3A_289 = tpu.memref_squeeze %dma_wait3A_288 : memref<1x!tpu.dma_semaphore, #tpu.memory_space<semaphore_mem>> -> memref<!tpu.dma_semaphore, #tpu.memory_space<semaphore_mem>>
      tpu.wait_indirect_dma semaphore(%dma_wait3A_289 : memref<!tpu.dma_semaphore, #tpu.memory_space<semaphore_mem>>) src(%dma_wait3A_287 : memref<1000000x32xf32, #tpu.memory_space<hbm>>) dst(%dma_wait3A_281 : memref<512x32xf32, #tpu.memory_space<vmem>>)
      %ge3A_290 = arith.constant 1 : i32
      %ge3A_291 = arith.cmpi sge, %scan3A_198, %ge3A_290 : i32
      %convert_element_type3A_292 = arith.extui %ge3A_291 : i1 to i32
      %cond3A_293 = arith.constant 0 : i32
      %cond3A_294 = arith.cmpi ne, %convert_element_type3A_292, %cond3A_293 : i32
      scf.if %cond3A_294 {
        %sub3A_329 = arith.constant 2 : i32
        %sub3A_330 = arith.subi %add3A_204, %sub3A_329 : i32
        %dma_wait3A_331 = arith.constant 1 : i32
        %dma_wait3A_332 = arith.constant 1 : i32
        %dma_wait3A_333 = arith.constant 0 : i32
        %dma_wait3A_334 = arith.constant 0 : i32
        %dma_wait3A_335 = arith.constant 0 : i32
        %dma_wait3A_336 = arith.constant 0 : i32
        %dma_wait3A_337 = tpu.memref_slice %arg7[%dma_wait3A_331, %dma_wait3A_333, %dma_wait3A_334, %dma_wait3A_335, %dma_wait3A_336] : memref<2x4x5x8x136xf32, #tpu.memory_space<vmem>> -> memref<1x4x4x8x128xf32, #tpu.memory_space<vmem>>
        %dma_wait3A_338 = tpu.memref_squeeze %dma_wait3A_337 : memref<1x4x4x8x128xf32, #tpu.memory_space<vmem>> -> memref<4x4x8x128xf32, #tpu.memory_space<vmem>>
        %dma_wait3A_339 = arith.constant 0 : i32
        %dma_wait3A_340 = arith.constant 0 : i32
        %dma_wait3A_341 = arith.constant 0 : i32
        %dma_wait3A_342 = tpu.memref_slice %arg4[%sub3A_330, %dma_wait3A_339, %select_n3A, %dma_wait3A_340, %dma_wait3A_341] : memref<50x4x128x8x128xf32, #tpu.memory_space<hbm>> -> memref<1x4x4x8x128xf32, #tpu.memory_space<hbm>>
        %dma_wait3A_343 = tpu.memref_squeeze %dma_wait3A_342 : memref<1x4x4x8x128xf32, #tpu.memory_space<hbm>> -> memref<4x4x8x128xf32, #tpu.memory_space<hbm>>
        %dma_wait3A_344 = tpu.memref_slice %arg9[%dma_wait3A_332] : memref<2x!tpu.dma_semaphore, #tpu.memory_space<semaphore_mem>> -> memref<1x!tpu.dma_semaphore, #tpu.memory_space<semaphore_mem>>
        %dma_wait3A_345 = tpu.memref_squeeze %dma_wait3A_344 : memref<1x!tpu.dma_semaphore, #tpu.memory_space<semaphore_mem>> -> memref<!tpu.dma_semaphore, #tpu.memory_space<semaphore_mem>>
        %dma_wait3A_346 = arith.constant 0 : i32
        %dma_wait3A_347 = arith.constant 0 : i32
        %dma_wait3A_348 = arith.constant 0 : i32
        %dma_wait3A_349 = tpu.memref_slice %arg4[%sub3A_330, %dma_wait3A_346, %select_n3A, %dma_wait3A_347, %dma_wait3A_348] : memref<50x4x128x8x128xf32, #tpu.memory_space<hbm>> -> memref<1x4x4x8x128xf32, #tpu.memory_space<hbm>>
        %dma_wait3A_350 = tpu.memref_squeeze %dma_wait3A_349 : memref<1x4x4x8x128xf32, #tpu.memory_space<hbm>> -> memref<4x4x8x128xf32, #tpu.memory_space<hbm>>
        %dma_wait3A_351 = arith.constant 0 : i32
        %dma_wait3A_352 = arith.constant 0 : i32
        %dma_wait3A_353 = arith.constant 0 : i32
        %dma_wait3A_354 = arith.constant 0 : i32
        %dma_wait3A_355 = tpu.memref_slice %arg7[%dma_wait3A_331, %dma_wait3A_351, %dma_wait3A_352, %dma_wait3A_353, %dma_wait3A_354] : memref<2x4x5x8x136xf32, #tpu.memory_space<vmem>> -> memref<1x4x4x8x128xf32, #tpu.memory_space<vmem>>
        %dma_wait3A_356 = tpu.memref_squeeze %dma_wait3A_355 : memref<1x4x4x8x128xf32, #tpu.memory_space<vmem>> -> memref<4x4x8x128xf32, #tpu.memory_space<vmem>>
        tpu.wait_dma2 semaphore(%dma_wait3A_345 : memref<!tpu.dma_semaphore, #tpu.memory_space<semaphore_mem>>) src(%dma_wait3A_356 : memref<4x4x8x128xf32, #tpu.memory_space<vmem>>) dst(%dma_wait3A_350 : memref<4x4x8x128xf32, #tpu.memory_space<hbm>>)
      } else {
      }
      %scan3A_295 = arith.constant 0 : i32
      %scan3A_296 = arith.constant 1 : i32
      %scan3A_297 = arith.constant 1 : i32
      %scan3A_298 = arith.constant 0 : i32
      %scan3A_299 = arith.constant 128 : i32
      %scan3A_300 = arith.addi %scan3A_298, %scan3A_299 : i32
      %scan3A_301 = arith.constant 1 : i32
      scf.for %scan3A_329 = %scan3A_298 to %scan3A_300 step %scan3A_301  : i32 {
        %mul3A_330 = arith.constant 4 : i32
        %mul3A_331 = arith.muli %mul3A_330, %scan3A_329 : i32
        %add3A_332 = arith.constant 0 : i32
        %add3A_333 = arith.addi %mul3A_331, %add3A_332 : i32
        %broadcast_in_dim3A = arith.constant 0 : i32
        %broadcast_in_dim3A_334 = vector.broadcast %broadcast_in_dim3A : i32 to vector<16xi32>
        %jit3A_335 = arith.constant 128 : i32
        %div3A_336 = arith.divsi %add3A_333, %jit3A_335 : i32
        %sign3A_337 = arith.constant 0 : i32
        %sign3A_338 = arith.cmpi sgt, %add3A_333, %sign3A_337 : i32
        %sign3A_339 = arith.extui %sign3A_338 : i1 to i32
        %sign3A_340 = arith.constant 0 : i32
        %sign3A_341 = arith.cmpi slt, %add3A_333, %sign3A_340 : i32
        %sign3A_342 = arith.extui %sign3A_341 : i1 to i32
        %sign3A_343 = arith.subi %sign3A_339, %sign3A_342 : i32
        %sign3A_344 = arith.constant 0 : i32
        %sign3A_345 = arith.cmpi sgt, %jit3A_335, %sign3A_344 : i32
        %sign3A_346 = arith.extui %sign3A_345 : i1 to i32
        %sign3A_347 = arith.constant 0 : i32
        %sign3A_348 = arith.cmpi slt, %jit3A_335, %sign3A_347 : i32
        %sign3A_349 = arith.extui %sign3A_348 : i1 to i32
        %sign3A_350 = arith.subi %sign3A_346, %sign3A_349 : i32
        %ne3A_351 = arith.cmpi ne, %sign3A_343, %sign3A_350 : i32
        %rem3A_352 = arith.remsi %add3A_333, %jit3A_335 : i32
        %ne3A_353 = arith.constant 0 : i32
        %ne3A_354 = arith.cmpi ne, %rem3A_352, %ne3A_353 : i32
        %and3A_355 = arith.andi %ne3A_351, %ne3A_354 : i1
        %sub3A_356 = arith.constant 1 : i32
        %sub3A_357 = arith.subi %div3A_336, %sub3A_356 : i32
        %select_n3A_358 = arith.select %and3A_355, %sub3A_357, %div3A_336 : i32
        %add3A_359 = vector.broadcast %select_n3A_358 : i32 to vector<16xi32>
        %add3A_360 = arith.addi %broadcast_in_dim3A_334, %add3A_359 : vector<16xi32>
        %broadcast_in_dim3A_361 = arith.constant 0 : i32
        %broadcast_in_dim3A_362 = vector.broadcast %broadcast_in_dim3A_361 : i32 to vector<16xi32>
        %jit3A_363 = arith.constant 128 : i32
        %eq3A_364 = arith.constant 0 : i32
        %eq3A_365 = arith.cmpi eq, %jit3A_363, %eq3A_364 : i32
        %jit3A_366 = arith.constant 1 : i32
        %select_n3A_367 = arith.select %eq3A_365, %jit3A_366, %jit3A_363 : i32
        %rem3A_368 = arith.remsi %add3A_333, %select_n3A_367 : i32
        %ne3A_369 = arith.constant 0 : i32
        %ne3A_370 = arith.cmpi ne, %rem3A_368, %ne3A_369 : i32
        %lt3A_371 = arith.constant 0 : i32
        %lt3A_372 = arith.cmpi slt, %rem3A_368, %lt3A_371 : i32
        %lt3A_373 = arith.constant 0 : i32
        %lt3A_374 = arith.cmpi slt, %select_n3A_367, %lt3A_373 : i32
        %ne3A_375 = arith.xori %lt3A_372, %lt3A_374 : i1
        %and3A_376 = arith.andi %ne3A_375, %ne3A_370 : i1
        %add3A_377 = arith.addi %rem3A_368, %select_n3A_367 : i32
        %select_n3A_378 = arith.select %and3A_376, %add3A_377, %rem3A_368 : i32
        %add3A_379 = vector.broadcast %select_n3A_378 : i32 to vector<16xi32>
        %add3A_380 = arith.addi %broadcast_in_dim3A_362, %add3A_379 : vector<16xi32>
        %get3A = arith.constant 0 : i32
        %get3A_381 = arith.constant 0 : i32
        %get3A_382 = tpu.memref_slice %arg6[%scan3A_296, %get3A, %get3A_381] : memref<2x512x32xf32, #tpu.memory_space<vmem>> -> memref<1x512x32xf32, #tpu.memory_space<vmem>>
        %get3A_383 = tpu.memref_squeeze %get3A_382 : memref<1x512x32xf32, #tpu.memory_space<vmem>> -> memref<512x32xf32, #tpu.memory_space<vmem>>
        %get3A_384 = arith.index_cast %add3A_333 : i32 to index
        %get3A_385 = arith.constant 0 : index
        %get3A_386 = tpu.vector_load %get3A_383[%get3A_384, %get3A_385] {strides = array<i32>} : memref<512x32xf32, #tpu.memory_space<vmem>>, vector<16xf32>,
        %get3A_387 = arith.constant 0 : i32
        %get3A_388 = arith.constant 0 : i32
        %get3A_389 = tpu.memref_slice %arg6[%scan3A_296, %get3A_387, %get3A_388] : memref<2x512x32xf32, #tpu.memory_space<vmem>> -> memref<1x512x32xf32, #tpu.memory_space<vmem>>
        %get3A_390 = tpu.memref_squeeze %get3A_389 : memref<1x512x32xf32, #tpu.memory_space<vmem>> -> memref<512x32xf32, #tpu.memory_space<vmem>>
        %get3A_391 = arith.index_cast %add3A_333 : i32 to index
        %get3A_392 = arith.constant 16 : index
        %get3A_393 = tpu.vector_load %get3A_390[%get3A_391, %get3A_392] {strides = array<i32>} : memref<512x32xf32, #tpu.memory_space<vmem>>, vector<16xf32>,
        %scatter3A = arith.constant 0 : i32
        %scatter3A_394 = arith.constant 0 : i32
        %scatter3A_395 = arith.constant 0 : i32
        %scatter3A_396 = arith.constant 0 : i32
        %scatter3A_397 = tpu.memref_slice %arg7[%scan3A_297, %scatter3A, %scatter3A_394, %scatter3A_395, %scatter3A_396] : memref<2x4x5x8x136xf32, #tpu.memory_space<vmem>> -> memref<1x4x5x8x136xf32, #tpu.memory_space<vmem>>
        %scatter3A_398 = tpu.memref_squeeze %scatter3A_397 : memref<1x4x5x8x136xf32, #tpu.memory_space<vmem>> -> memref<4x5x8x136xf32, #tpu.memory_space<vmem>>
        tpu.vector_store_idx %scatter3A_398[%select_n3A_52, %add3A_360, %select_n3A_72, %add3A_380], %get3A_386 : memref<4x5x8x136xf32, #tpu.memory_space<vmem>>[vector<16xi32>, vector<16xi32>, vector<16xi32>, vector<16xi32>], vector<16xf32>,
        %scatter3A_399 = arith.constant 0 : i32
        %scatter3A_400 = arith.constant 0 : i32
        %scatter3A_401 = arith.constant 0 : i32
        %scatter3A_402 = arith.constant 0 : i32
        %scatter3A_403 = tpu.memref_slice %arg7[%scan3A_297, %scatter3A_399, %scatter3A_400, %scatter3A_401, %scatter3A_402] : memref<2x4x5x8x136xf32, #tpu.memory_space<vmem>> -> memref<1x4x5x8x136xf32, #tpu.memory_space<vmem>>
        %scatter3A_404 = tpu.memref_squeeze %scatter3A_403 : memref<1x4x5x8x136xf32, #tpu.memory_space<vmem>> -> memref<4x5x8x136xf32, #tpu.memory_space<vmem>>
        tpu.vector_store_idx %scatter3A_404[%select_n3A_103, %add3A_360, %select_n3A_125, %add3A_380], %get3A_393 : memref<4x5x8x136xf32, #tpu.memory_space<vmem>>[vector<16xi32>, vector<16xi32>, vector<16xi32>, vector<16xi32>], vector<16xf32>,
        %mul3A_405 = arith.constant 4 : i32
        %mul3A_406 = arith.muli %mul3A_405, %scan3A_329 : i32
        %add3A_407 = arith.constant 1 : i32
        %add3A_408 = arith.addi %mul3A_406, %add3A_407 : i32
        %broadcast_in_dim3A_409 = arith.constant 0 : i32
        %broadcast_in_dim3A_410 = vector.broadcast %broadcast_in_dim3A_409 : i32 to vector<16xi32>
        %jit3A_411 = arith.constant 128 : i32
        %div3A_412 = arith.divsi %add3A_408, %jit3A_411 : i32
        %sign3A_413 = arith.constant 0 : i32
        %sign3A_414 = arith.cmpi sgt, %add3A_408, %sign3A_413 : i32
        %sign3A_415 = arith.extui %sign3A_414 : i1 to i32
        %sign3A_416 = arith.constant 0 : i32
        %sign3A_417 = arith.cmpi slt, %add3A_408, %sign3A_416 : i32
        %sign3A_418 = arith.extui %sign3A_417 : i1 to i32
        %sign3A_419 = arith.subi %sign3A_415, %sign3A_418 : i32
        %sign3A_420 = arith.constant 0 : i32
        %sign3A_421 = arith.cmpi sgt, %jit3A_411, %sign3A_420 : i32
        %sign3A_422 = arith.extui %sign3A_421 : i1 to i32
        %sign3A_423 = arith.constant 0 : i32
        %sign3A_424 = arith.cmpi slt, %jit3A_411, %sign3A_423 : i32
        %sign3A_425 = arith.extui %sign3A_424 : i1 to i32
        %sign3A_426 = arith.subi %sign3A_422, %sign3A_425 : i32
        %ne3A_427 = arith.cmpi ne, %sign3A_419, %sign3A_426 : i32
        %rem3A_428 = arith.remsi %add3A_408, %jit3A_411 : i32
        %ne3A_429 = arith.constant 0 : i32
        %ne3A_430 = arith.cmpi ne, %rem3A_428, %ne3A_429 : i32
        %and3A_431 = arith.andi %ne3A_427, %ne3A_430 : i1
        %sub3A_432 = arith.constant 1 : i32
        %sub3A_433 = arith.subi %div3A_412, %sub3A_432 : i32
        %select_n3A_434 = arith.select %and3A_431, %sub3A_433, %div3A_412 : i32
        %add3A_435 = vector.broadcast %select_n3A_434 : i32 to vector<16xi32>
        %add3A_436 = arith.addi %broadcast_in_dim3A_410, %add3A_435 : vector<16xi32>
        %broadcast_in_dim3A_437 = arith.constant 0 : i32
        %broadcast_in_dim3A_438 = vector.broadcast %broadcast_in_dim3A_437 : i32 to vector<16xi32>
        %jit3A_439 = arith.constant 128 : i32
        %eq3A_440 = arith.constant 0 : i32
        %eq3A_441 = arith.cmpi eq, %jit3A_439, %eq3A_440 : i32
        %jit3A_442 = arith.constant 1 : i32
        %select_n3A_443 = arith.select %eq3A_441, %jit3A_442, %jit3A_439 : i32
        %rem3A_444 = arith.remsi %add3A_408, %select_n3A_443 : i32
        %ne3A_445 = arith.constant 0 : i32
        %ne3A_446 = arith.cmpi ne, %rem3A_444, %ne3A_445 : i32
        %lt3A_447 = arith.constant 0 : i32
        %lt3A_448 = arith.cmpi slt, %rem3A_444, %lt3A_447 : i32
        %lt3A_449 = arith.constant 0 : i32
        %lt3A_450 = arith.cmpi slt, %select_n3A_443, %lt3A_449 : i32
        %ne3A_451 = arith.xori %lt3A_448, %lt3A_450 : i1
        %and3A_452 = arith.andi %ne3A_451, %ne3A_446 : i1
        %add3A_453 = arith.addi %rem3A_444, %select_n3A_443 : i32
        %select_n3A_454 = arith.select %and3A_452, %add3A_453, %rem3A_444 : i32
        %add3A_455 = vector.broadcast %select_n3A_454 : i32 to vector<16xi32>
        %add3A_456 = arith.addi %broadcast_in_dim3A_438, %add3A_455 : vector<16xi32>
        %get3A_457 = arith.constant 0 : i32
        %get3A_458 = arith.constant 0 : i32
        %get3A_459 = tpu.memref_slice %arg6[%scan3A_296, %get3A_457, %get3A_458] : memref<2x512x32xf32, #tpu.memory_space<vmem>> -> memref<1x512x32xf32, #tpu.memory_space<vmem>>
        %get3A_460 = tpu.memref_squeeze %get3A_459 : memref<1x512x32xf32, #tpu.memory_space<vmem>> -> memref<512x32xf32, #tpu.memory_space<vmem>>
        %get3A_461 = arith.index_cast %add3A_408 : i32 to index
        %get3A_462 = arith.constant 0 : index
        %get3A_463 = tpu.vector_load %get3A_460[%get3A_461, %get3A_462] {strides = array<i32>} : memref<512x32xf32, #tpu.memory_space<vmem>>, vector<16xf32>,
        %get3A_464 = arith.constant 0 : i32
        %get3A_465 = arith.constant 0 : i32
        %get3A_466 = tpu.memref_slice %arg6[%scan3A_296, %get3A_464, %get3A_465] : memref<2x512x32xf32, #tpu.memory_space<vmem>> -> memref<1x512x32xf32, #tpu.memory_space<vmem>>
        %get3A_467 = tpu.memref_squeeze %get3A_466 : memref<1x512x32xf32, #tpu.memory_space<vmem>> -> memref<512x32xf32, #tpu.memory_space<vmem>>
        %get3A_468 = arith.index_cast %add3A_408 : i32 to index
        %get3A_469 = arith.constant 16 : index
        %get3A_470 = tpu.vector_load %get3A_467[%get3A_468, %get3A_469] {strides = array<i32>} : memref<512x32xf32, #tpu.memory_space<vmem>>, vector<16xf32>,
        %scatter3A_471 = arith.constant 0 : i32
        %scatter3A_472 = arith.constant 0 : i32
        %scatter3A_473 = arith.constant 0 : i32
        %scatter3A_474 = arith.constant 0 : i32
        %scatter3A_475 = tpu.memref_slice %arg7[%scan3A_297, %scatter3A_471, %scatter3A_472, %scatter3A_473, %scatter3A_474] : memref<2x4x5x8x136xf32, #tpu.memory_space<vmem>> -> memref<1x4x5x8x136xf32, #tpu.memory_space<vmem>>
        %scatter3A_476 = tpu.memref_squeeze %scatter3A_475 : memref<1x4x5x8x136xf32, #tpu.memory_space<vmem>> -> memref<4x5x8x136xf32, #tpu.memory_space<vmem>>
        tpu.vector_store_idx %scatter3A_476[%select_n3A_52, %add3A_436, %select_n3A_72, %add3A_456], %get3A_463 : memref<4x5x8x136xf32, #tpu.memory_space<vmem>>[vector<16xi32>, vector<16xi32>, vector<16xi32>, vector<16xi32>], vector<16xf32>,
        %scatter3A_477 = arith.constant 0 : i32
        %scatter3A_478 = arith.constant 0 : i32
        %scatter3A_479 = arith.constant 0 : i32
        %scatter3A_480 = arith.constant 0 : i32
        %scatter3A_481 = tpu.memref_slice %arg7[%scan3A_297, %scatter3A_477, %scatter3A_478, %scatter3A_479, %scatter3A_480] : memref<2x4x5x8x136xf32, #tpu.memory_space<vmem>> -> memref<1x4x5x8x136xf32, #tpu.memory_space<vmem>>
        %scatter3A_482 = tpu.memref_squeeze %scatter3A_481 : memref<1x4x5x8x136xf32, #tpu.memory_space<vmem>> -> memref<4x5x8x136xf32, #tpu.memory_space<vmem>>
        tpu.vector_store_idx %scatter3A_482[%select_n3A_103, %add3A_436, %select_n3A_125, %add3A_456], %get3A_470 : memref<4x5x8x136xf32, #tpu.memory_space<vmem>>[vector<16xi32>, vector<16xi32>, vector<16xi32>, vector<16xi32>], vector<16xf32>,
        %mul3A_483 = arith.constant 4 : i32
        %mul3A_484 = arith.muli %mul3A_483, %scan3A_329 : i32
        %add3A_485 = arith.constant 2 : i32
        %add3A_486 = arith.addi %mul3A_484, %add3A_485 : i32
        %broadcast_in_dim3A_487 = arith.constant 0 : i32
        %broadcast_in_dim3A_488 = vector.broadcast %broadcast_in_dim3A_487 : i32 to vector<16xi32>
        %jit3A_489 = arith.constant 128 : i32
        %div3A_490 = arith.divsi %add3A_486, %jit3A_489 : i32
        %sign3A_491 = arith.constant 0 : i32
        %sign3A_492 = arith.cmpi sgt, %add3A_486, %sign3A_491 : i32
        %sign3A_493 = arith.extui %sign3A_492 : i1 to i32
        %sign3A_494 = arith.constant 0 : i32
        %sign3A_495 = arith.cmpi slt, %add3A_486, %sign3A_494 : i32
        %sign3A_496 = arith.extui %sign3A_495 : i1 to i32
        %sign3A_497 = arith.subi %sign3A_493, %sign3A_496 : i32
        %sign3A_498 = arith.constant 0 : i32
        %sign3A_499 = arith.cmpi sgt, %jit3A_489, %sign3A_498 : i32
        %sign3A_500 = arith.extui %sign3A_499 : i1 to i32
        %sign3A_501 = arith.constant 0 : i32
        %sign3A_502 = arith.cmpi slt, %jit3A_489, %sign3A_501 : i32
        %sign3A_503 = arith.extui %sign3A_502 : i1 to i32
        %sign3A_504 = arith.subi %sign3A_500, %sign3A_503 : i32
        %ne3A_505 = arith.cmpi ne, %sign3A_497, %sign3A_504 : i32
        %rem3A_506 = arith.remsi %add3A_486, %jit3A_489 : i32
        %ne3A_507 = arith.constant 0 : i32
        %ne3A_508 = arith.cmpi ne, %rem3A_506, %ne3A_507 : i32
        %and3A_509 = arith.andi %ne3A_505, %ne3A_508 : i1
        %sub3A_510 = arith.constant 1 : i32
        %sub3A_511 = arith.subi %div3A_490, %sub3A_510 : i32
        %select_n3A_512 = arith.select %and3A_509, %sub3A_511, %div3A_490 : i32
        %add3A_513 = vector.broadcast %select_n3A_512 : i32 to vector<16xi32>
        %add3A_514 = arith.addi %broadcast_in_dim3A_488, %add3A_513 : vector<16xi32>
        %broadcast_in_dim3A_515 = arith.constant 0 : i32
        %broadcast_in_dim3A_516 = vector.broadcast %broadcast_in_dim3A_515 : i32 to vector<16xi32>
        %jit3A_517 = arith.constant 128 : i32
        %eq3A_518 = arith.constant 0 : i32
        %eq3A_519 = arith.cmpi eq, %jit3A_517, %eq3A_518 : i32
        %jit3A_520 = arith.constant 1 : i32
        %select_n3A_521 = arith.select %eq3A_519, %jit3A_520, %jit3A_517 : i32
        %rem3A_522 = arith.remsi %add3A_486, %select_n3A_521 : i32
        %ne3A_523 = arith.constant 0 : i32
        %ne3A_524 = arith.cmpi ne, %rem3A_522, %ne3A_523 : i32
        %lt3A_525 = arith.constant 0 : i32
        %lt3A_526 = arith.cmpi slt, %rem3A_522, %lt3A_525 : i32
        %lt3A_527 = arith.constant 0 : i32
        %lt3A_528 = arith.cmpi slt, %select_n3A_521, %lt3A_527 : i32
        %ne3A_529 = arith.xori %lt3A_526, %lt3A_528 : i1
        %and3A_530 = arith.andi %ne3A_529, %ne3A_524 : i1
        %add3A_531 = arith.addi %rem3A_522, %select_n3A_521 : i32
        %select_n3A_532 = arith.select %and3A_530, %add3A_531, %rem3A_522 : i32
        %add3A_533 = vector.broadcast %select_n3A_532 : i32 to vector<16xi32>
        %add3A_534 = arith.addi %broadcast_in_dim3A_516, %add3A_533 : vector<16xi32>
        %get3A_535 = arith.constant 0 : i32
        %get3A_536 = arith.constant 0 : i32
        %get3A_537 = tpu.memref_slice %arg6[%scan3A_296, %get3A_535, %get3A_536] : memref<2x512x32xf32, #tpu.memory_space<vmem>> -> memref<1x512x32xf32, #tpu.memory_space<vmem>>
        %get3A_538 = tpu.memref_squeeze %get3A_537 : memref<1x512x32xf32, #tpu.memory_space<vmem>> -> memref<512x32xf32, #tpu.memory_space<vmem>>
        %get3A_539 = arith.index_cast %add3A_486 : i32 to index
        %get3A_540 = arith.constant 0 : index
        %get3A_541 = tpu.vector_load %get3A_538[%get3A_539, %get3A_540] {strides = array<i32>} : memref<512x32xf32, #tpu.memory_space<vmem>>, vector<16xf32>,
        %get3A_542 = arith.constant 0 : i32
        %get3A_543 = arith.constant 0 : i32
        %get3A_544 = tpu.memref_slice %arg6[%scan3A_296, %get3A_542, %get3A_543] : memref<2x512x32xf32, #tpu.memory_space<vmem>> -> memref<1x512x32xf32, #tpu.memory_space<vmem>>
        %get3A_545 = tpu.memref_squeeze %get3A_544 : memref<1x512x32xf32, #tpu.memory_space<vmem>> -> memref<512x32xf32, #tpu.memory_space<vmem>>
        %get3A_546 = arith.index_cast %add3A_486 : i32 to index
        %get3A_547 = arith.constant 16 : index
        %get3A_548 = tpu.vector_load %get3A_545[%get3A_546, %get3A_547] {strides = array<i32>} : memref<512x32xf32, #tpu.memory_space<vmem>>, vector<16xf32>,
        %scatter3A_549 = arith.constant 0 : i32
        %scatter3A_550 = arith.constant 0 : i32
        %scatter3A_551 = arith.constant 0 : i32
        %scatter3A_552 = arith.constant 0 : i32
        %scatter3A_553 = tpu.memref_slice %arg7[%scan3A_297, %scatter3A_549, %scatter3A_550, %scatter3A_551, %scatter3A_552] : memref<2x4x5x8x136xf32, #tpu.memory_space<vmem>> -> memref<1x4x5x8x136xf32, #tpu.memory_space<vmem>>
        %scatter3A_554 = tpu.memref_squeeze %scatter3A_553 : memref<1x4x5x8x136xf32, #tpu.memory_space<vmem>> -> memref<4x5x8x136xf32, #tpu.memory_space<vmem>>
        tpu.vector_store_idx %scatter3A_554[%select_n3A_52, %add3A_514, %select_n3A_72, %add3A_534], %get3A_541 : memref<4x5x8x136xf32, #tpu.memory_space<vmem>>[vector<16xi32>, vector<16xi32>, vector<16xi32>, vector<16xi32>], vector<16xf32>,
        %scatter3A_555 = arith.constant 0 : i32
        %scatter3A_556 = arith.constant 0 : i32
        %scatter3A_557 = arith.constant 0 : i32
        %scatter3A_558 = arith.constant 0 : i32
        %scatter3A_559 = tpu.memref_slice %arg7[%scan3A_297, %scatter3A_555, %scatter3A_556, %scatter3A_557, %scatter3A_558] : memref<2x4x5x8x136xf32, #tpu.memory_space<vmem>> -> memref<1x4x5x8x136xf32, #tpu.memory_space<vmem>>
        %scatter3A_560 = tpu.memref_squeeze %scatter3A_559 : memref<1x4x5x8x136xf32, #tpu.memory_space<vmem>> -> memref<4x5x8x136xf32, #tpu.memory_space<vmem>>
        tpu.vector_store_idx %scatter3A_560[%select_n3A_103, %add3A_514, %select_n3A_125, %add3A_534], %get3A_548 : memref<4x5x8x136xf32, #tpu.memory_space<vmem>>[vector<16xi32>, vector<16xi32>, vector<16xi32>, vector<16xi32>], vector<16xf32>,
        %mul3A_561 = arith.constant 4 : i32
        %mul3A_562 = arith.muli %mul3A_561, %scan3A_329 : i32
        %add3A_563 = arith.constant 3 : i32
        %add3A_564 = arith.addi %mul3A_562, %add3A_563 : i32
        %broadcast_in_dim3A_565 = arith.constant 0 : i32
        %broadcast_in_dim3A_566 = vector.broadcast %broadcast_in_dim3A_565 : i32 to vector<16xi32>
        %jit3A_567 = arith.constant 128 : i32
        %div3A_568 = arith.divsi %add3A_564, %jit3A_567 : i32
        %sign3A_569 = arith.constant 0 : i32
        %sign3A_570 = arith.cmpi sgt, %add3A_564, %sign3A_569 : i32
        %sign3A_571 = arith.extui %sign3A_570 : i1 to i32
        %sign3A_572 = arith.constant 0 : i32
        %sign3A_573 = arith.cmpi slt, %add3A_564, %sign3A_572 : i32
        %sign3A_574 = arith.extui %sign3A_573 : i1 to i32
        %sign3A_575 = arith.subi %sign3A_571, %sign3A_574 : i32
        %sign3A_576 = arith.constant 0 : i32
        %sign3A_577 = arith.cmpi sgt, %jit3A_567, %sign3A_576 : i32
        %sign3A_578 = arith.extui %sign3A_577 : i1 to i32
        %sign3A_579 = arith.constant 0 : i32
        %sign3A_580 = arith.cmpi slt, %jit3A_567, %sign3A_579 : i32
        %sign3A_581 = arith.extui %sign3A_580 : i1 to i32
        %sign3A_582 = arith.subi %sign3A_578, %sign3A_581 : i32
        %ne3A_583 = arith.cmpi ne, %sign3A_575, %sign3A_582 : i32
        %rem3A_584 = arith.remsi %add3A_564, %jit3A_567 : i32
        %ne3A_585 = arith.constant 0 : i32
        %ne3A_586 = arith.cmpi ne, %rem3A_584, %ne3A_585 : i32
        %and3A_587 = arith.andi %ne3A_583, %ne3A_586 : i1
        %sub3A_588 = arith.constant 1 : i32
        %sub3A_589 = arith.subi %div3A_568, %sub3A_588 : i32
        %select_n3A_590 = arith.select %and3A_587, %sub3A_589, %div3A_568 : i32
        %add3A_591 = vector.broadcast %select_n3A_590 : i32 to vector<16xi32>
        %add3A_592 = arith.addi %broadcast_in_dim3A_566, %add3A_591 : vector<16xi32>
        %broadcast_in_dim3A_593 = arith.constant 0 : i32
        %broadcast_in_dim3A_594 = vector.broadcast %broadcast_in_dim3A_593 : i32 to vector<16xi32>
        %jit3A_595 = arith.constant 128 : i32
        %eq3A_596 = arith.constant 0 : i32
        %eq3A_597 = arith.cmpi eq, %jit3A_595, %eq3A_596 : i32
        %jit3A_598 = arith.constant 1 : i32
        %select_n3A_599 = arith.select %eq3A_597, %jit3A_598, %jit3A_595 : i32
        %rem3A_600 = arith.remsi %add3A_564, %select_n3A_599 : i32
        %ne3A_601 = arith.constant 0 : i32
        %ne3A_602 = arith.cmpi ne, %rem3A_600, %ne3A_601 : i32
        %lt3A_603 = arith.constant 0 : i32
        %lt3A_604 = arith.cmpi slt, %rem3A_600, %lt3A_603 : i32
        %lt3A_605 = arith.constant 0 : i32
        %lt3A_606 = arith.cmpi slt, %select_n3A_599, %lt3A_605 : i32
        %ne3A_607 = arith.xori %lt3A_604, %lt3A_606 : i1
        %and3A_608 = arith.andi %ne3A_607, %ne3A_602 : i1
        %add3A_609 = arith.addi %rem3A_600, %select_n3A_599 : i32
        %select_n3A_610 = arith.select %and3A_608, %add3A_609, %rem3A_600 : i32
        %add3A_611 = vector.broadcast %select_n3A_610 : i32 to vector<16xi32>
        %add3A_612 = arith.addi %broadcast_in_dim3A_594, %add3A_611 : vector<16xi32>
        %get3A_613 = arith.constant 0 : i32
        %get3A_614 = arith.constant 0 : i32
        %get3A_615 = tpu.memref_slice %arg6[%scan3A_296, %get3A_613, %get3A_614] : memref<2x512x32xf32, #tpu.memory_space<vmem>> -> memref<1x512x32xf32, #tpu.memory_space<vmem>>
        %get3A_616 = tpu.memref_squeeze %get3A_615 : memref<1x512x32xf32, #tpu.memory_space<vmem>> -> memref<512x32xf32, #tpu.memory_space<vmem>>
        %get3A_617 = arith.index_cast %add3A_564 : i32 to index
        %get3A_618 = arith.constant 0 : index
        %get3A_619 = tpu.vector_load %get3A_616[%get3A_617, %get3A_618] {strides = array<i32>} : memref<512x32xf32, #tpu.memory_space<vmem>>, vector<16xf32>,
        %get3A_620 = arith.constant 0 : i32
        %get3A_621 = arith.constant 0 : i32
        %get3A_622 = tpu.memref_slice %arg6[%scan3A_296, %get3A_620, %get3A_621] : memref<2x512x32xf32, #tpu.memory_space<vmem>> -> memref<1x512x32xf32, #tpu.memory_space<vmem>>
        %get3A_623 = tpu.memref_squeeze %get3A_622 : memref<1x512x32xf32, #tpu.memory_space<vmem>> -> memref<512x32xf32, #tpu.memory_space<vmem>>
        %get3A_624 = arith.index_cast %add3A_564 : i32 to index
        %get3A_625 = arith.constant 16 : index
        %get3A_626 = tpu.vector_load %get3A_623[%get3A_624, %get3A_625] {strides = array<i32>} : memref<512x32xf32, #tpu.memory_space<vmem>>, vector<16xf32>,
        %scatter3A_627 = arith.constant 0 : i32
        %scatter3A_628 = arith.constant 0 : i32
        %scatter3A_629 = arith.constant 0 : i32
        %scatter3A_630 = arith.constant 0 : i32
        %scatter3A_631 = tpu.memref_slice %arg7[%scan3A_297, %scatter3A_627, %scatter3A_628, %scatter3A_629, %scatter3A_630] : memref<2x4x5x8x136xf32, #tpu.memory_space<vmem>> -> memref<1x4x5x8x136xf32, #tpu.memory_space<vmem>>
        %scatter3A_632 = tpu.memref_squeeze %scatter3A_631 : memref<1x4x5x8x136xf32, #tpu.memory_space<vmem>> -> memref<4x5x8x136xf32, #tpu.memory_space<vmem>>
        tpu.vector_store_idx %scatter3A_632[%select_n3A_52, %add3A_592, %select_n3A_72, %add3A_612], %get3A_619 : memref<4x5x8x136xf32, #tpu.memory_space<vmem>>[vector<16xi32>, vector<16xi32>, vector<16xi32>, vector<16xi32>], vector<16xf32>,
        %scatter3A_633 = arith.constant 0 : i32
        %scatter3A_634 = arith.constant 0 : i32
        %scatter3A_635 = arith.constant 0 : i32
        %scatter3A_636 = arith.constant 0 : i32
        %scatter3A_637 = tpu.memref_slice %arg7[%scan3A_297, %scatter3A_633, %scatter3A_634, %scatter3A_635, %scatter3A_636] : memref<2x4x5x8x136xf32, #tpu.memory_space<vmem>> -> memref<1x4x5x8x136xf32, #tpu.memory_space<vmem>>
        %scatter3A_638 = tpu.memref_squeeze %scatter3A_637 : memref<1x4x5x8x136xf32, #tpu.memory_space<vmem>> -> memref<4x5x8x136xf32, #tpu.memory_space<vmem>>
        tpu.vector_store_idx %scatter3A_638[%select_n3A_103, %add3A_592, %select_n3A_125, %add3A_612], %get3A_626 : memref<4x5x8x136xf32, #tpu.memory_space<vmem>>[vector<16xi32>, vector<16xi32>, vector<16xi32>, vector<16xi32>], vector<16xf32>,
      }
      %scan3A_302 = arith.constant 128 : i32
      %dma_start3A_303 = arith.constant 1 : i32
      %dma_start3A_304 = arith.constant 1 : i32
      %dma_start3A_305 = arith.constant 0 : i32
      %dma_start3A_306 = arith.constant 0 : i32
      %dma_start3A_307 = arith.constant 0 : i32
      %dma_start3A_308 = arith.constant 0 : i32
      %dma_start3A_309 = tpu.memref_slice %arg7[%dma_start3A_303, %dma_start3A_305, %dma_start3A_306, %dma_start3A_307, %dma_start3A_308] : memref<2x4x5x8x136xf32, #tpu.memory_space<vmem>> -> memref<1x4x4x8x128xf32, #tpu.memory_space<vmem>>
      %dma_start3A_310 = tpu.memref_squeeze %dma_start3A_309 : memref<1x4x4x8x128xf32, #tpu.memory_space<vmem>> -> memref<4x4x8x128xf32, #tpu.memory_space<vmem>>
      %dma_start3A_311 = arith.constant 0 : i32
      %dma_start3A_312 = arith.constant 0 : i32
      %dma_start3A_313 = arith.constant 0 : i32
      %dma_start3A_314 = tpu.memref_slice %arg4[%add3A_204, %dma_start3A_311, %select_n3A, %dma_start3A_312, %dma_start3A_313] : memref<50x4x128x8x128xf32, #tpu.memory_space<hbm>> -> memref<1x4x4x8x128xf32, #tpu.memory_space<hbm>>
      %dma_start3A_315 = tpu.memref_squeeze %dma_start3A_314 : memref<1x4x4x8x128xf32, #tpu.memory_space<hbm>> -> memref<4x4x8x128xf32, #tpu.memory_space<hbm>>
      %dma_start3A_316 = tpu.memref_slice %arg9[%dma_start3A_304] : memref<2x!tpu.dma_semaphore, #tpu.memory_space<semaphore_mem>> -> memref<1x!tpu.dma_semaphore, #tpu.memory_space<semaphore_mem>>
      %dma_start3A_317 = tpu.memref_squeeze %dma_start3A_316 : memref<1x!tpu.dma_semaphore, #tpu.memory_space<semaphore_mem>> -> memref<!tpu.dma_semaphore, #tpu.memory_space<semaphore_mem>>
      %dma_start3A_318 = arith.constant 0 : i32
      %dma_start3A_319 = arith.constant 0 : i32
      %dma_start3A_320 = arith.constant 0 : i32
      %dma_start3A_321 = tpu.memref_slice %arg4[%add3A_204, %dma_start3A_318, %select_n3A, %dma_start3A_319, %dma_start3A_320] : memref<50x4x128x8x128xf32, #tpu.memory_space<hbm>> -> memref<1x4x4x8x128xf32, #tpu.memory_space<hbm>>
      %dma_start3A_322 = tpu.memref_squeeze %dma_start3A_321 : memref<1x4x4x8x128xf32, #tpu.memory_space<hbm>> -> memref<4x4x8x128xf32, #tpu.memory_space<hbm>>
      %dma_start3A_323 = arith.constant 0 : i32
      %dma_start3A_324 = arith.constant 0 : i32
      %dma_start3A_325 = arith.constant 0 : i32
      %dma_start3A_326 = arith.constant 0 : i32
      %dma_start3A_327 = tpu.memref_slice %arg7[%dma_start3A_303, %dma_start3A_323, %dma_start3A_324, %dma_start3A_325, %dma_start3A_326] : memref<2x4x5x8x136xf32, #tpu.memory_space<vmem>> -> memref<1x4x4x8x128xf32, #tpu.memory_space<vmem>>
      %dma_start3A_328 = tpu.memref_squeeze %dma_start3A_327 : memref<1x4x4x8x128xf32, #tpu.memory_space<vmem>> -> memref<4x4x8x128xf32, #tpu.memory_space<vmem>>
      tpu.enqueue_dma source(%dma_start3A_328 : memref<4x4x8x128xf32, #tpu.memory_space<vmem>>) target(%dma_start3A_322 : memref<4x4x8x128xf32, #tpu.memory_space<hbm>>) target_semaphore(%dma_start3A_317 : memref<!tpu.dma_semaphore, #tpu.memory_space<semaphore_mem>>)
    }
    %scan3A_144 = arith.constant 25 : i32
    %dma_wait3A = arith.constant 0 : i32
    %dma_wait3A_145 = arith.constant 48 : i32
    %dma_wait3A_146 = arith.constant 0 : i32
    %dma_wait3A_147 = arith.constant 0 : i32
    %dma_wait3A_148 = arith.constant 0 : i32
    %dma_wait3A_149 = arith.constant 0 : i32
    %dma_wait3A_150 = arith.constant 0 : i32
    %dma_wait3A_151 = tpu.memref_slice %arg7[%dma_wait3A, %dma_wait3A_147, %dma_wait3A_148, %dma_wait3A_149, %dma_wait3A_150] : memref<2x4x5x8x136xf32, #tpu.memory_space<vmem>> -> memref<1x4x4x8x128xf32, #tpu.memory_space<vmem>>
    %dma_wait3A_152 = tpu.memref_squeeze %dma_wait3A_151 : memref<1x4x4x8x128xf32, #tpu.memory_space<vmem>> -> memref<4x4x8x128xf32, #tpu.memory_space<vmem>>
    %dma_wait3A_153 = arith.constant 0 : i32
    %dma_wait3A_154 = arith.constant 0 : i32
    %dma_wait3A_155 = arith.constant 0 : i32
    %dma_wait3A_156 = tpu.memref_slice %arg4[%dma_wait3A_145, %dma_wait3A_153, %select_n3A, %dma_wait3A_154, %dma_wait3A_155] : memref<50x4x128x8x128xf32, #tpu.memory_space<hbm>> -> memref<1x4x4x8x128xf32, #tpu.memory_space<hbm>>
    %dma_wait3A_157 = tpu.memref_squeeze %dma_wait3A_156 : memref<1x4x4x8x128xf32, #tpu.memory_space<hbm>> -> memref<4x4x8x128xf32, #tpu.memory_space<hbm>>
    %dma_wait3A_158 = tpu.memref_slice %arg9[%dma_wait3A_146] : memref<2x!tpu.dma_semaphore, #tpu.memory_space<semaphore_mem>> -> memref<1x!tpu.dma_semaphore, #tpu.memory_space<semaphore_mem>>
    %dma_wait3A_159 = tpu.memref_squeeze %dma_wait3A_158 : memref<1x!tpu.dma_semaphore, #tpu.memory_space<semaphore_mem>> -> memref<!tpu.dma_semaphore, #tpu.memory_space<semaphore_mem>>
    %dma_wait3A_160 = arith.constant 0 : i32
    %dma_wait3A_161 = arith.constant 0 : i32
    %dma_wait3A_162 = arith.constant 0 : i32
    %dma_wait3A_163 = tpu.memref_slice %arg4[%dma_wait3A_145, %dma_wait3A_160, %select_n3A, %dma_wait3A_161, %dma_wait3A_162] : memref<50x4x128x8x128xf32, #tpu.memory_space<hbm>> -> memref<1x4x4x8x128xf32, #tpu.memory_space<hbm>>
    %dma_wait3A_164 = tpu.memref_squeeze %dma_wait3A_163 : memref<1x4x4x8x128xf32, #tpu.memory_space<hbm>> -> memref<4x4x8x128xf32, #tpu.memory_space<hbm>>
    %dma_wait3A_165 = arith.constant 0 : i32
    %dma_wait3A_166 = arith.constant 0 : i32
    %dma_wait3A_167 = arith.constant 0 : i32
    %dma_wait3A_168 = arith.constant 0 : i32
    %dma_wait3A_169 = tpu.memref_slice %arg7[%dma_wait3A, %dma_wait3A_165, %dma_wait3A_166, %dma_wait3A_167, %dma_wait3A_168] : memref<2x4x5x8x136xf32, #tpu.memory_space<vmem>> -> memref<1x4x4x8x128xf32, #tpu.memory_space<vmem>>
    %dma_wait3A_170 = tpu.memref_squeeze %dma_wait3A_169 : memref<1x4x4x8x128xf32, #tpu.memory_space<vmem>> -> memref<4x4x8x128xf32, #tpu.memory_space<vmem>>
    tpu.wait_dma2 semaphore(%dma_wait3A_159 : memref<!tpu.dma_semaphore, #tpu.memory_space<semaphore_mem>>) src(%dma_wait3A_170 : memref<4x4x8x128xf32, #tpu.memory_space<vmem>>) dst(%dma_wait3A_164 : memref<4x4x8x128xf32, #tpu.memory_space<hbm>>)
    %dma_wait3A_171 = arith.constant 1 : i32
    %dma_wait3A_172 = arith.constant 49 : i32
    %dma_wait3A_173 = arith.constant 1 : i32
    %dma_wait3A_174 = arith.constant 0 : i32
    %dma_wait3A_175 = arith.constant 0 : i32
    %dma_wait3A_176 = arith.constant 0 : i32
    %dma_wait3A_177 = arith.constant 0 : i32
    %dma_wait3A_178 = tpu.memref_slice %arg7[%dma_wait3A_171, %dma_wait3A_174, %dma_wait3A_175, %dma_wait3A_176, %dma_wait3A_177] : memref<2x4x5x8x136xf32, #tpu.memory_space<vmem>> -> memref<1x4x4x8x128xf32, #tpu.memory_space<vmem>>
    %dma_wait3A_179 = tpu.memref_squeeze %dma_wait3A_178 : memref<1x4x4x8x128xf32, #tpu.memory_space<vmem>> -> memref<4x4x8x128xf32, #tpu.memory_space<vmem>>
    %dma_wait3A_180 = arith.constant 0 : i32
    %dma_wait3A_181 = arith.constant 0 : i32
    %dma_wait3A_182 = arith.constant 0 : i32
    %dma_wait3A_183 = tpu.memref_slice %arg4[%dma_wait3A_172, %dma_wait3A_180, %select_n3A, %dma_wait3A_181, %dma_wait3A_182] : memref<50x4x128x8x128xf32, #tpu.memory_space<hbm>> -> memref<1x4x4x8x128xf32, #tpu.memory_space<hbm>>
    %dma_wait3A_184 = tpu.memref_squeeze %dma_wait3A_183 : memref<1x4x4x8x128xf32, #tpu.memory_space<hbm>> -> memref<4x4x8x128xf32, #tpu.memory_space<hbm>>
    %dma_wait3A_185 = tpu.memref_slice %arg9[%dma_wait3A_173] : memref<2x!tpu.dma_semaphore, #tpu.memory_space<semaphore_mem>> -> memref<1x!tpu.dma_semaphore, #tpu.memory_space<semaphore_mem>>
    %dma_wait3A_186 = tpu.memref_squeeze %dma_wait3A_185 : memref<1x!tpu.dma_semaphore, #tpu.memory_space<semaphore_mem>> -> memref<!tpu.dma_semaphore, #tpu.memory_space<semaphore_mem>>
    %dma_wait3A_187 = arith.constant 0 : i32
    %dma_wait3A_188 = arith.constant 0 : i32
    %dma_wait3A_189 = arith.constant 0 : i32
    %dma_wait3A_190 = tpu.memref_slice %arg4[%dma_wait3A_172, %dma_wait3A_187, %select_n3A, %dma_wait3A_188, %dma_wait3A_189] : memref<50x4x128x8x128xf32, #tpu.memory_space<hbm>> -> memref<1x4x4x8x128xf32, #tpu.memory_space<hbm>>
    %dma_wait3A_191 = tpu.memref_squeeze %dma_wait3A_190 : memref<1x4x4x8x128xf32, #tpu.memory_space<hbm>> -> memref<4x4x8x128xf32, #tpu.memory_space<hbm>>
    %dma_wait3A_192 = arith.constant 0 : i32
    %dma_wait3A_193 = arith.constant 0 : i32
    %dma_wait3A_194 = arith.constant 0 : i32
    %dma_wait3A_195 = arith.constant 0 : i32
    %dma_wait3A_196 = tpu.memref_slice %arg7[%dma_wait3A_171, %dma_wait3A_192, %dma_wait3A_193, %dma_wait3A_194, %dma_wait3A_195] : memref<2x4x5x8x136xf32, #tpu.memory_space<vmem>> -> memref<1x4x4x8x128xf32, #tpu.memory_space<vmem>>
    %dma_wait3A_197 = tpu.memref_squeeze %dma_wait3A_196 : memref<1x4x4x8x128xf32, #tpu.memory_space<vmem>> -> memref<4x4x8x128xf32, #tpu.memory_space<vmem>>
    tpu.wait_dma2 semaphore(%dma_wait3A_186 : memref<!tpu.dma_semaphore, #tpu.memory_space<semaphore_mem>>) src(%dma_wait3A_197 : memref<4x4x8x128xf32, #tpu.memory_space<vmem>>) dst(%dma_wait3A_191 : memref<4x4x8x128xf32, #tpu.memory_space<hbm>>)
    return
  }
}

</mosaic_0001>

<sc_bundles>
// kernel: kernel.3.cloned.1.call-start
scs
__scs_entry_jumppad:
0x0: {  	(pc) =	sbr.rel $0x88, $3  }
0x1: {  	(tag) =	ssettag $0x0;
	lr =	simm.s32 $0x1  }
0x2: {  	[smem:$0x3F9F] =	sst lr;
	_ =	strace $0xD0000000  }
0x3: {  	_ = 	snop  }
0x4: {  	_ = 	snop  }
0x5: {  	_ = 	snop  }
0x6: {  	_ = 	snop  }
0x7: {  	_ = 	snop  }
__scs_overlays_trampoline_lowered:
0x8: {  	[smem:$0x3FAE] =	sst s0  }
0x9: {  	[smem:$0x3FAF] =	sst s1  }
0xa: {  	[smem:$0x3FB0] =	sst s2  }
0xb: {  	[smem:$0x3FB1] =	sst s3  }
0xc: {  	[smem:$0x3FB2] =	sst s4  }
0xd: {  	[smem:$0x3FB3] =	sst s5  }
0xe: {  	[smem:$0x3FB4] =	sst s6  }
0xf: {  	[smem:$0x3FB5] =	sst s7  }
0x10: {  	[smem:$0x3FB6] =	sst s8  }
0x11: {  	[smem:$0x3FB7] =	sst s9;
	s0 =	simm.s32 @!p0 $0x0  }
0x12: {  	s1 =	sld [smem:$0x3F9D];
	s0 =	simm.s32 @p0 $0x1  }
0x13: {  	[smem:$0x3FB8] =	sst s0;
	s0 =	simm.s32 @!p1 $0x0  }
0x14: {  	s2 =	sld [smem:$0x3F9C];
	s0 =	simm.s32 @p1 $0x1  }
0x15: {  	[smem:$0x3FB9] =	sst s0;
	s0 =	simm.s32 @!p2 $0x0  }
0x16: {  	s3 =	sld [smem:$0x3FDB];
	s0 =	simm.s32 @p2 $0x1  }
0x17: {  	s4 =	simm.s32 $0x1BF5;
	[smem:$0x3FBB] =	sst s0  }
0x18: {  	s0 =	sld [smem:$0x3F9E];
	_ =	swait.ge [sflag:s4], $0x0  }
0x19: {  	s7 =	sld [smem:$0x3F9F]  }
0x1a: {  	s8 =	sadd.s32 $0xFFFFE003, lr  }
0x1b: {  	s9 =	sadd.s32 $0xFFFFFEF7, lr;
	s5 =	simm.s32 $0xFFFFFFFF;
	p2 =	slt.u32 s8, $0xFFFFF086  }
0x1c: {  	p1 =	slt.u32 s9, $0xF7A;
	s5 =	simm.s32 @!p2 $0x0  }
0x1d: {  	s5 =	simm.s32 @p1 $0x1;
	p0 =	seq.s32 s7, s2  }
0x1e: {  	s7 =	smul.u32 @!p0 $0xF7A, s2;
	p2 =	seq.s32 @!p0 s5, $0x0  }
0x1f: {  	s9 =	smul.u32 $0xF7A, s1;
	s8 =	simm.s32 @!p0 $0x1BF5;
	p2 =	por !p2, p0  }
0x20: {  	[sflag:s8] =	ssyncset.s32 @!p0 $0xFFFFF086;
	s6 =	sadd.s32 @!p0 s3, s7;
	s7 =	simm.s32 @!p0 $0x108  }
0x21: {  	s3 =	sadd.s32 s3, s9;
	s6 =	sadd.s32 @!p0 $0x88, s6;
	s7 =	simm.s32 @p2 $0x1082  }
0x22: {  	[simem:s7], [sflag:s8] =	dma.local @!p0 [hbm:s6], $0xF7A  }
0x23: {  	s9 =	sor.u32 $0xD0000000, s2;
	s6 =	simm.s32 $0x108;
	_ =	swait.ge @!p0 [sflag:s8], $0x0  }
0x24: {  	s3 =	sadd.s32 $0x88, s3;
	s6 =	simm.s32 @!p1 $0x1082;
	[sflag:s4] =	ssyncset.s32 $0xFFFFF086  }
0x25: {  	[simem:s6], [sflag:s4] =	dma.local [hbm:s3], $0xF7A  }
0x26: {  	[smem:$0x3F9F] =	sst s1;
	(tag) =	ssettag s2;
	_ =	strace s9  }
0x27: {  	s1 =	sld [smem:$0x3FAF]  }
0x28: {  	s2 =	sld [smem:$0x3FB0]  }
0x29: {  	s4 =	sld [smem:$0x3FB2]  }
0x2a: {  	p0 =	seq.s32 s5, $0x0;
	s5 =	sld [smem:$0x3FB3]  }
0x2b: {  	s6 =	sld [smem:$0x3FB4]  }
0x2c: {  	s7 =	sld [smem:$0x3FB5]  }
0x2d: {  	s3 =	simm.s32 $0x108;
	s8 =	sld [smem:$0x3FB6]  }
0x2e: {  	s3 =	simm.s32 @!p0 $0x1082;
	s9 =	sld [smem:$0x3FB7]  }
0x2f: {  	lr =	sadd.s32 s0, s3;
	s0 =	sld [smem:$0x3FAE]  }
0x30: {  	s3 =	sld [smem:$0x3FB1]  }
0x31: {  	[smem:$0x3FBA] =	sst s10  }
0x32: {  	s10 =	sld [smem:$0x3FB8];
	_ =	sdelay $0x3  }
0x33: {  	p0 =	seq.s32 s10, $0x1;
	s10 =	sld [smem:$0x3FBA];
	_ =	sdelay $0x3  }
0x34: {  	[smem:$0x3FBA] =	sst s10  }
0x35: {  	s10 =	sld [smem:$0x3FB9];
	_ =	sdelay $0x3  }
0x36: {  	p1 =	seq.s32 s10, $0x1;
	s10 =	sld [smem:$0x3FBA];
	_ =	sdelay $0x3  }
0x37: {  	[smem:$0x3FBA] =	sst s10  }
0x38: {  	s10 =	sld [smem:$0x3FBB]  }
0x39: {  	_ = 	snop;
	(pc) =	sbr.ind lr, $3  }
0x3a: {  	_ = 	snop  }
0x3b: {  	_ = 	snop  }
0x3c: {  	p2 =	seq.s32 s10, $0x1;
	s10 =	sld [smem:$0x3FBA]  }
0x3d: {  	_ =	shalt  }
0x3e: {  	_ =	shalt  }
0x3f: {  	_ =	shalt  }
0x40: {  	_ =	shalt  }
0x41: {  	_ =	shalt  }
0x42: {  	_ =	shalt  }
0x43: {  	_ =	shalt  }
0x44: {  	_ =	shalt  }
0x45: {  	_ =	shalt  }
0x46: {  	_ =	shalt  }
0x47: {  	_ =	shalt  }
0x48: {  	_ =	shalt  }
0x49: {  	_ =	shalt  }
0x4a: {  	_ =	shalt  }
0x4b: {  	_ =	shalt  }
0x4c: {  	_ =	shalt  }
0x4d: {  	_ =	shalt  }
0x4e: {  	_ =	shalt  }
0x4f: {  	_ =	shalt  }
0x50: {  	_ =	shalt  }
0x51: {  	_ =	shalt  }
0x52: {  	_ =	shalt  }
0x53: {  	_ =	shalt  }
0x54: {  	_ =	shalt  }
0x55: {  	_ =	shalt  }
0x56: {  	_ =	shalt  }
0x57: {  	_ =	shalt  }
0x58: {  	_ =	shalt  }
0x59: {  	_ =	shalt  }
0x5a: {  	_ =	shalt  }
0x5b: {  	_ =	shalt  }
0x5c: {  	_ =	shalt  }
0x5d: {  	_ =	shalt  }
0x5e: {  	_ =	shalt  }
0x5f: {  	_ =	shalt  }
0x60: {  	_ =	shalt  }
0x61: {  	_ =	shalt  }
0x62: {  	_ =	shalt  }
0x63: {  	_ =	shalt  }
0x64: {  	_ =	shalt  }
0x65: {  	_ =	shalt  }
0x66: {  	_ =	shalt  }
0x67: {  	_ =	shalt  }
0x68: {  	_ =	shalt  }
0x69: {  	_ =	shalt  }
0x6a: {  	_ =	shalt  }
0x6b: {  	_ =	shalt  }
0x6c: {  	_ =	shalt  }
0x6d: {  	_ =	shalt  }
0x6e: {  	_ =	shalt  }
0x6f: {  	_ =	shalt  }
0x70: {  	_ =	shalt  }
0x71: {  	_ =	shalt  }
0x72: {  	_ =	shalt  }
0x73: {  	_ =	shalt  }
0x74: {  	_ =	shalt  }
0x75: {  	_ =	shalt  }
0x76: {  	_ =	shalt  }
0x77: {  	_ =	shalt  }
0x78: {  	_ =	shalt  }
0x79: {  	_ =	shalt  }
0x7a: {  	_ =	shalt  }
0x7b: {  	_ =	shalt  }
0x7c: {  	_ =	shalt  }
0x7d: {  	_ =	shalt  }
0x7e: {  	_ =	shalt  }
0x7f: {  	_ =	shalt  }
0x80: {  	_ =	shalt  }
0x81: {  	_ =	shalt  }
0x82: {  	_ =	shalt  }
0x83: {  	_ =	shalt  }
0x84: {  	_ =	shalt  }
0x85: {  	_ =	shalt  }
0x86: {  	_ =	shalt  }
0x87: {  	_ =	shalt  }
.Lfunc_end0:
.L_simem_size_0:
called_computation_lowered:
.L_overlay_start_0:
0x88: {  	s2 =	sld [smem:$0x3FD9]  }
0x89: {  	s3 =	sld [smem:$0x3FFE];
	_ =	sdelay $0x1  }
0x8a: {  	s1 =	srdreg.scid  }
0x8b: {  	s0 =	sand.u32 $0x1, s1  }
0x8c: {  	s17 =	sshll.u32 s0, $0xA;
	s2 =	sadd.s32 s3, s2  }
0x8d: {  	s2 =	sadd.s32 s2, s17  }
0x8e: {  	[smem:$0x3FC6] =	sst s2  }
0x8f: {  	_ = 	snop  }
0x90: {  	s2 =	sld [smem:$0x3FD0];
	(tm) =	ssettm $0x1  }
0x91: {  	s18 =	sld [smem:$0x3FFB];
	_ =	sdelay $0x3  }
0x92: {  	_ =	strace s18  }
0x93: {  	s3 =	sld [smem:$0x3FFC];
	_ =	sdelay $0x3  }
0x94: {  	_ =	strace s3  }
0x95: {  	s3 =	sld [smem:$0x3FFD];
	_ =	sdelay $0x3  }
0x96: {  	_ =	strace s3  }
0x97: {  	_ =	strace $0x8FFFFFFF  }
0x98: {  	s19 =	sld [smem:$0x3FDB];
	_ =	sdelay $0x1  }
0x99: {  	s4 =	simm.s32 $_scs_section_size  }
0x9a: {  	s5 =	simm.s32 $_size__tile_overlayer_lowered;
	s6 =	simm.s32 $_tile_overlayer_lowered  }
0x9b: {  	s22 =	simm.s32 $0x1BFF;
	s21 =	sshll.u32 s6, $0x1;
	s3 =	sadd.s32 s4, s19  }
0x9c: {  	s7 =	simm.s32 $0x0;
	s20 =	sshll.u32 s5, $0x1;
	s5 =	sadd.s32 s21, s3  }
0x9d: {  	[timem:s7], [sflag:s22] =	dma.local [hbm:s5], s20  }
0x9e: {  	_ =	swait.ge [sflag:s22], s20  }
0x9f: {  	s4 =	ssub.s32 $0x0, s20;
	[sflag:s22] =	ssyncset.done $0x0  }
0xa0: {  	[sflag:s22] =	ssyncadd.s32 s4;
	_ =	sdelay $0x1  }
0xa1: {  	s23 =	simm.s32 $0x1B8B  }
0xa2: {  	_ =	swait.ge [sflag:s23], $0x1  }
0xa3: {  	[sflag:s23] =	ssyncset.done $0x0  }
0xa4: {  	s25 =	simm.s32 $0x1B8E;
	s24 =	sld [smem:$0x3FFE];
	[sflag:s23] =	ssyncadd.s32 $0xFFFFFFFF  }
0xa5: {  	s26 =	simm.s32 $execute0_lowered;
	[smem:$0x3FD2] =	sst s25  }
0xa6: {  	s5 =	sshll.u32 s26, $0x1;
	_ =	strace $0x80000046;
	[dreg:$0x1] =	wrdreg $0xFFFFFFFF  }
0xa7: {  	s28 =	simm.s32 $_size_execute0_lowered;
	s3 =	sadd.s32 s3, s5;
	[dreg:$0x0] =	wrdreg $0x0  }
0xa8: {  	s5 =	sshll.u32 s28, $0x1;
	[dreg:$0x2] =	wrdreg s3  }
0xa9: {  	[dreg:$0x3] =	wrdreg s5  }
0xaa: {  	[dreg:$0x4] =	wrdreg $0xC0  }
0xab: {  	_ =	task [dreg:s7], $0x5FFFF  }
0xac: {  	[dreg:$0x1] =	wrdreg $0xFFFFFFFF  }
0xad: {  	[dreg:$0x0] =	wrdreg $0x60  }
0xae: {  	[dreg:$0x2] =	wrdreg s24  }
0xaf: {  	[dreg:$0x3] =	wrdreg s2  }
0xb0: {  	[dreg:$0x4] =	wrdreg $0x9  }
0xb1: {  	_ =	task.clear_ibuf [dreg:s7], $0x5FFFF;
	_ =	strace $0x90000046  }
0xb2: {  	s29 =	simm.s32 $0x9;
	_ =	strace $0x80000048  }
0xb3: {  	_ =	swait.ge [sflag:s29], $0x1  }
0xb4: {  	[sflag:s29] =	ssyncadd.s32 $0xFFFFFFFF  }
0xb5: {  	_ =	strace $0x90000048  }
0xb6: {  	_ =	sfence  }
0xb7: {  	s30 =	sld [smem:$0x0];
	_ =	sdelay $0x2  }
0xb8: {  	s31 =	sshll.u32 s1, $0xD;
	s1 =	sshrl.u32 s1, $0x2  }
0xb9: {  	s3 =	sand.u32 $0x4000, s31;
	s1 =	sadd.s32 s1, s30  }
0xba: {  	s0 =	sor.u32 s3, s0;
	s1 =	sshll.u32 s1, $0x11  }
0xbb: {  	s0 =	sor.u32 s1, s0  }
0xbc: {  	s0 =	sadd.s32 $0x8F2B, s0  }
0xbd: {  	[sflag:s0] =	ssyncadd.remote.s32 $0x1  }
0xbe: {  	_ =	sfence.sel $0xFFFF  }
0xbf: {  	[dreg:$0x0] =	wrdreg $0xFFFFFFFF;
	(pc) =	sbr.abs _section_cstart, $3  }
0xc0: {  	[dreg:$0x1] =	wrdreg $0xFFFFFFFF  }
0xc1: {  	_ =	task.clear_ibuf [dreg:s7], $0x2FFFF;
	_ =	strace $0x9FFFFFFF  }
0xc2: {  	(tm) =	ssettm $0x7FFFFFFF  }
0xc3: {  	_ =	shalt  }
tec
execute0_lowered:
.L_overlay_start_1:
0x0: {  	(tag) =	ssettag $0x1  }
0x1: {  	v0 =	vimm.s32 $0x18F8;
	vm0 =	vcmask $0x300;
	v1 =	vimm.s32 $0x4378  }
0x2: {  	vm1 =	vcmask $0x704;
	v0 =	vsel vm0, $0x0, v0;
	v1 =	vsel vm0, $0x2A80, v1  }
0x3: {  	vm15 =	vcmask $0xB08;
	v0 =	vsel vm1, $0x88, v0;
	v1 =	vsel vm1, $0x2B08, v1  }
0x4: {  	vm4 =	vcmask $0xF0C;
	v0 =	vsel vm15, $0x110, v0;
	v1 =	vsel vm15, $0x2B90, v1  }
0x5: {  	s3 =	rddreg [dreg:$0x0];
	vm5 =	vcmask $0x1310;
	v0 =	vsel vm4, $0x198, v0;
	v1 =	vsel vm4, $0x2C18, v1  }
0x6: {  	s5 =	rddreg [dreg:$0x1];
	s2 =	srdreg.scid;
	vm6 =	vcmask $0x1714;
	v0 =	vsel vm5, $0x220, v0;
	v1 =	vsel vm5, $0x2CA0, v1  }
0x7: {  	s0 =	rddreg [dreg:$0x2];
	s1 =	stileid.u32;
	vm7 =	vcmask $0x1B18;
	s9 =	simm.s32 $0x5;
	v0 =	vsel vm6, $0x2A8, v0;
	v1 =	vsel vm6, $0x2D28, v1  }
0x8: {  	vm8 =	vcmask $0x1F1C;
	s10 =	simm.s32 $0x6400;
	s11 =	simm.s32 $0xA400;
	s12 =	simm.s32 $0x1;
	v0 =	vsel vm7, $0x330, v0;
	v1 =	vsel vm7, $0x2DB0, v1  }
0x9: {  	vm9 =	vcmask $0x2320;
	s13 =	simm.s32 $0xE400;
	s14 =	simm.s32 $0x2;
	s15 =	simm.s32 $0x4;
	v0 =	vsel vm8, $0x3B8, v0;
	v1 =	vsel vm8, $0x2E38, v1  }
0xa: {  	vm10 =	vcmask $0x2724;
	s16 =	simm.s32 $0x13900;
	s17 =	simm.s32 $0x3;
	s18 =	simm.s32 $0x0;
	v0 =	vsel vm9, $0x1540, v0;
	v1 =	vsel vm9, $0x3FC0, v1  }
0xb: {  	vm11 =	vcmask $0x2B28;
	s4 =	sand.u32 $0x1, s2;
	s2 =	simm.s32 $0x0;
	s6 =	sshll.u32 s1, $0xA;
	v0 =	vsel vm10, $0x15C8, v0;
	v1 =	vsel vm10, $0x4048, v1  }
0xc: {  	vm12 =	vcmask $0x2F2C;
	s7 =	sshll.u32 s4, $0x9;
	[smem:$0x7FF] =	sst s2;
	s4 =	ssub.s32 $0x2, s4;
	v0 =	vsel vm11, $0x1650, v0;
	v1 =	vsel vm11, $0x40D0, v1  }
0xd: {  	vm13 =	vcmask $0x3330;
	s6 =	sor.u32 s7, s6;
	_ =	strace $0x80000047;
	s8 =	sshrl.u32 s4, $0x1;
	v0 =	vsel vm12, $0x16D8, v0;
	v1 =	vsel vm12, $0x4158, v1  }
0xe: {  	vm14 =	vcmask $0x3734;
	s7 =	sshrl.u32 s6, $0x3;
	s8 =	ssub.s32 s4, s8;
	s5 =	sadd.s32 s5, s6;
	v0 =	vsel vm13, $0x1760, v0;
	v1 =	vsel vm13, $0x41E0, v1  }
0xf: {  	vm15 =	vcmask $0x3B38;
	s7 =	sadd.s32 s7, s3;
	s3 =	sadd.s32 $0xF42A00, s3;
	s6 =	smax.u32 s8, $0x1;
	v0 =	vsel vm14, $0x17E8, v0;
	v1 =	vsel vm14, $0x4268, v1  }
0x10: {  	s8 =	simm.s32 $0x4000;
	s4 =	sadd.s32 $0x600, s7;
	s7 =	simm.s32 $0x200;
	v0 =	vsel vm15, $0x1870, v0;
	v1 =	vsel vm15, $0x42F0, v1  }
.LBB2_1:
0x11: {  	[tilespmem:s2], [sflag:$0x5] =	stream.strided.gather [hbm4b:s4+s7], $0x6400, s8, s7, $0x38;
	[tilespmem:$0x18E00] =	vst v63  }
0x12: {  	_ =	swait.ge [sflag:s9], $0x6400  }
0x13: {  	[sflag:s9] =	ssyncset.done $0x0  }
0x14: {  	s19 =	simm.s32 $0x0;
	[sflag:s9] =	ssyncadd.s32 $0xFFFF9C00  }
0x15: {  	[tilespmem:s10], [sflag:$0x1] =	stream.indirect.gather [hbm4b:s3+s7], $0x20, s2, s7, $0xb8;
	[tilespmem:$0x18E00] =	vst v63  }
.LBB2_2:
0x16: {  	s20 =	sshllo.u32 s19, $0x1  }
0x17: {  	s21 =	sshll.u32 s20, $0x9  }
0x18: {  	s22 =	simm.s32 $0x0;
	s21 =	sand.u32 $0x3FFFFE00, s21  }
0x19: {  	v2 =	vmov s22;
	[tilespmem:s11], [sflag:$0x2] =	stream.indirect.gather [hbm4b:s3+s7], $0x20, s21, s7, $0xb8;
	[tilespmem:$0x18E00] =	vst v63  }
0x1a: {  	v2 =	vmul.u32 $0x440, v2;
	_ =	swait.ge [sflag:s12], $0x4000  }
0x1b: {  	p0 =	seq.s32 s19, $0x0;
	[sflag:s12] =	ssyncset.done $0x0  }
0x1c: {  	s26 =	simm.s32 $0x0;
	s21 =	simm.s32 @!p0 $0x3;
	v2 =	vbroadcast v2, $0x0;
	[sflag:s12] =	ssyncadd.s32 $0xFFFFC000  }
0x1d: {  	v3 =	vmov s26;
	_ =	swait.ge @!p0 [sflag:s21], $0x4000  }
0x1e: {  	v4 =	vand.u32 $0x78, v3;
	v5 =	vadd.s32 v0, v2;
	[sflag:s21] =	ssyncset.done @!p0 $0x0  }
0x1f: {  	v3 =	vand.u32 $0x4, v3;
	v2 =	vadd.s32 v1, v2;
	v6 =	vadd.s32 v4, v5;
	[sflag:s21] =	ssyncadd.s32 @!p0 $0xFFFFC000;
	s21 =	simm.s32 $0x6440  }
0x20: {  	v4 =	vadd.s32 v4, v2;
	v6 =	vor.u32 v3, v6;
	v7 =	vld [tilespmem:s21+$0xFFFFFFC0]  }
0x21: {  	v3 =	vor.u32 v3, v4;
	v8 =	vld [tilespmem:s21+$0xFFFFFFD0];
	_ =	sdelay $0x1  }
0x22: {  	s28 =	simm.s32 $0x1  }
0x23: {  	v4 =	vmov s28  }
0x24: {  	[tilespmem:v6+s13+$0x0] =	vst.idx.msk $0xffff, v7;
	v6 =	vand.u32 $0x78, v4  }
0x25: {  	[tilespmem:v3+s13+$0x0] =	vst.idx.msk $0xffff, v8;
	v3 =	vand.u32 $0x5, v4;
	v4 =	vadd.s32 v5, v6  }
0x26: {  	v6 =	vadd.s32 v2, v6;
	v7 =	vld [tilespmem:s21+$0xFFFFFFE0];
	v4 =	vor.u32 v3, v4  }
0x27: {  	v8 =	vld [tilespmem:s21+$0xFFFFFFF0];
	v3 =	vor.u32 v3, v6;
	_ =	sdelay $0x1  }
0x28: {  	s29 =	simm.s32 $0x2  }
0x29: {  	v6 =	vmov s29  }
0x2a: {  	[tilespmem:v4+s13+$0x0] =	vst.idx.msk $0xffff, v7;
	v4 =	vand.u32 $0x78, v6  }
0x2b: {  	[tilespmem:v3+s13+$0x0] =	vst.idx.msk $0xffff, v8;
	v3 =	vand.u32 $0x6, v6;
	v6 =	vadd.s32 v5, v4  }
0x2c: {  	v4 =	vadd.s32 v2, v4;
	v7 =	vld [tilespmem:s21+$0x0];
	v6 =	vor.u32 v3, v6  }
0x2d: {  	v8 =	vld [tilespmem:s21+$0x10];
	v3 =	vor.u32 v3, v4;
	_ =	sdelay $0x1  }
0x2e: {  	s30 =	simm.s32 $0x3  }
0x2f: {  	v4 =	vmov s30  }
0x30: {  	s31 =	simm.s32 $0x0;
	[tilespmem:v6+s13+$0x0] =	vst.idx.msk $0xffff, v7;
	v6 =	vand.u32 $0x78, v4  }
0x31: {  	[tilespmem:v3+s13+$0x0] =	vst.idx.msk $0xffff, v8;
	v3 =	vand.u32 $0x7, v4;
	v4 =	vadd.s32 v5, v6;
	v5 =	vmov s31  }
0x32: {  	v8 =	vld [tilespmem:s21+$0x20];
	v9 =	vor.u32 v3, v4;
	v4 =	vmul.u32 $0x440, v5  }
0x33: {  	v2 =	vadd.s32 v2, v6  }
0x34: {  	v6 =	vor.u32 v3, v2;
	v10 =	vbroadcast v4, $0x0;
	v4 =	vld [tilespmem:s21+$0x30]  }
0x35: {  	s22 =	simm.s32 $0x4  }
0x36: {  	v7 =	vmov s22  }
0x37: {  	s23 =	simm.s32 $0x2;
	v5 =	vand.u32 $0x78, v7;
	v3 =	vadd.s32 v0, v10;
	v2 =	vadd.s32 v1, v10;
	[tilespmem:v9+s13+$0x0] =	vst.idx.msk $0xffff, v8  }
.LBB2_3:
0x38: {  	p1 =	sne.s32 s23, $0x7F  }
0x39: {  	v7 =	vand.u32 $0x4, v7;
	v8 =	vadd.s32 v5, v3;
	[tilespmem:v6+s13+$0x0] =	vst.idx.msk $0xffff, v4;
	s21 =	sadd.s32 $0x80, s21;
	s24 =	smov.u32 s23;
	s23 =	sadd.s32 $0x1, s23  }
0x3a: {  	v5 =	vadd.s32 v5, v2;
	v4 =	vld [tilespmem:s21+$0xFFFFFFC0];
	v6 =	vor.u32 v7, v8  }
0x3b: {  	v5 =	vor.u32 v7, v5;
	v8 =	vld [tilespmem:s21+$0xFFFFFFD0];
	_ =	sdelay $0x1  }
0x3c: {  	s25 =	sadd.s32 $0x1, s22  }
0x3d: {  	v7 =	vmov s25  }
0x3e: {  	[tilespmem:v6+s13+$0x0] =	vst.idx.msk $0xffff, v4;
	v4 =	vand.u32 $0x78, v7  }
0x3f: {  	[tilespmem:v5+s13+$0x0] =	vst.idx.msk $0xffff, v8;
	v5 =	vand.u32 $0x5, v7;
	v6 =	vadd.s32 v3, v4  }
0x40: {  	v4 =	vadd.s32 v2, v4;
	v7 =	vld [tilespmem:s21+$0xFFFFFFE0];
	v6 =	vor.u32 v5, v6  }
0x41: {  	v4 =	vor.u32 v5, v4;
	v8 =	vld [tilespmem:s21+$0xFFFFFFF0];
	_ =	sdelay $0x1  }
0x42: {  	s25 =	sadd.s32 $0x2, s22  }
0x43: {  	v5 =	vmov s25  }
0x44: {  	[tilespmem:v6+s13+$0x0] =	vst.idx.msk $0xffff, v7;
	v6 =	vand.u32 $0x78, v5  }
0x45: {  	[tilespmem:v4+s13+$0x0] =	vst.idx.msk $0xffff, v8;
	v4 =	vand.u32 $0x6, v5;
	v5 =	vadd.s32 v3, v6  }
0x46: {  	v6 =	vadd.s32 v2, v6;
	v7 =	vld [tilespmem:s21+$0x0];
	v5 =	vor.u32 v4, v5  }
0x47: {  	v4 =	vor.u32 v4, v6;
	v8 =	vld [tilespmem:s21+$0x10];
	_ =	sdelay $0x1  }
0x48: {  	s25 =	sadd.s32 $0x3, s22  }
0x49: {  	v6 =	vmov s25  }
0x4a: {  	[tilespmem:v5+s13+$0x0] =	vst.idx.msk $0xffff, v7;
	v5 =	vand.u32 $0x78, v6  }
0x4b: {  	s24 =	sshrl.u32 s24, $0x5;
	v6 =	vand.u32 $0x7, v6;
	[tilespmem:v4+s13+$0x0] =	vst.idx.msk $0xffff, v8;
	v3 =	vadd.s32 v3, v5  }
0x4c: {  	v4 =	vmov s24;
	v2 =	vadd.s32 v2, v5;
	v8 =	vld [tilespmem:s21+$0x20];
	v9 =	vor.u32 v6, v3  }
.Ltmp0:
0x4d: {  	v3 =	vmul.u32 $0x440, v4;
	v6 =	vor.u32 v6, v2;
	v4 =	vld [tilespmem:s21+$0x30];
	(pc) =	sbr.rel @p1 .LBB2_3-.Ltmp0, $4  }
0x4e: {  	_ = 	snop  }
0x4f: {  	s22 =	sadd.s32 $0x4, s22;
	v2 =	vbroadcast v3, $0x0  }
0x50: {  	v7 =	vmov s22  }
0x51: {  	v5 =	vand.u32 $0x78, v7;
	v3 =	vadd.s32 v0, v2;
	v2 =	vadd.s32 v1, v2;
	[tilespmem:v9+s13+$0x0] =	vst.idx.msk $0xffff, v8  }
0x52: {  	_ =	sdelay $0x3  }
0x53: {  	v7 =	vand.u32 $0x4, v7;
	v8 =	vadd.s32 v5, v3;
	[tilespmem:v6+s13+$0x0] =	vst.idx.msk $0xffff, v4;
	s21 =	sadd.s32 $0x80, s21  }
0x54: {  	v48 =	vadd.s32 v5, v2;
	v4 =	vld [tilespmem:s21+$0xFFFFFFC0];
	v47 =	vor.u32 v7, v8  }
0x55: {  	v49 =	vld [tilespmem:s21+$0xFFFFFFD0];
	v5 =	vor.u32 v7, v48;
	_ =	sdelay $0x1  }
0x56: {  	s23 =	sadd.s32 $0x1, s22  }
0x57: {  	v50 =	vmov s23  }
0x58: {  	v51 =	vand.u32 $0x78, v50;
	[tilespmem:v47+s13+$0x0] =	vst.idx.msk $0xffff, v4  }
0x59: {  	v52 =	vand.u32 $0x5, v50;
	v53 =	vadd.s32 v3, v51;
	[tilespmem:v5+s13+$0x0] =	vst.idx.msk $0xffff, v49  }
0x5a: {  	v6 =	vor.u32 v52, v53;
	v4 =	vadd.s32 v2, v51;
	v54 =	vld [tilespmem:s21+$0xFFFFFFE0]  }
0x5b: {  	v4 =	vor.u32 v52, v4;
	v8 =	vld [tilespmem:s21+$0xFFFFFFF0];
	_ =	sdelay $0x1  }
0x5c: {  	s29 =	sadd.s32 $0x2, s22  }
0x5d: {  	v55 =	vmov s29  }
0x5e: {  	v56 =	vand.u32 $0x78, v55;
	[tilespmem:v6+s13+$0x0] =	vst.idx.msk $0xffff, v54  }
0x5f: {  	v57 =	vand.u32 $0x6, v55;
	v58 =	vadd.s32 v3, v56;
	[tilespmem:v4+s13+$0x0] =	vst.idx.msk $0xffff, v8  }
0x60: {  	v5 =	vor.u32 v57, v58;
	v6 =	vadd.s32 v2, v56;
	v7 =	vld [tilespmem:s21+$0x0]  }
0x61: {  	v4 =	vor.u32 v57, v6;
	v8 =	vld [tilespmem:s21+$0x10];
	_ =	sdelay $0x1  }
0x62: {  	s30 =	sadd.s32 $0x3, s22  }
0x63: {  	v59 =	vmov s30  }
0x64: {  	v60 =	vand.u32 $0x78, v59;
	[tilespmem:v5+s13+$0x0] =	vst.idx.msk $0xffff, v7  }
0x65: {  	v61 =	vand.u32 $0x7, v59;
	v3 =	vadd.s32 v3, v60;
	[tilespmem:v4+s13+$0x0] =	vst.idx.msk $0xffff, v8  }
0x66: {  	v3 =	vor.u32 v61, v3;
	v2 =	vadd.s32 v2, v60;
	v62 =	vld [tilespmem:s21+$0x20]  }
0x67: {  	v2 =	vor.u32 v61, v2;
	v63 =	vld [tilespmem:s21+$0x30];
	_ =	sdelay $0x2  }
0x68: {  	s31 =	sshll.u32 s19, $0x11  }
0x69: {  	s22 =	simm.s32 $0xE400;
	s21 =	sadd.s32 s31, s5;
	[tilespmem:v3+s13+$0x0] =	vst.idx.msk $0xffff, v62  }
0x6a: {  	s24 =	simm.s32 $0xE488;
	s23 =	simm.s32 $0x10;
	s25 =	sadd.s32 $0x0, s21;
	[tilespmem:v2+s13+$0x0] =	vst.idx.msk $0xffff, v63  }
.LBB2_5:
0x6b: {  	[hbm4b:s25+s2] =	stream.linear.scatter [tilespmem:s22], [sflag:$0x3], $0x80, $0x38;
	[tilespmem:$0x18E00] =	vst v63  }
0x6c: {  	s25 =	smov.u32 s23;
	s22 =	smov.u32 s24;
	p1 =	sne.s32 s23, $0x1F0  }
.Ltmp1:
0x6d: {  	s23 =	sadd.s32 $0x10, s23;
	(pc) =	sbr.rel @p1 .LBB2_5-.Ltmp1, $2  }
0x6e: {  	_ =	sdelay $0x2  }
0x6f: {  	s24 =	sadd.s32 $0x88, s24;
	s25 =	sadd.s32 s25, s21  }
0x70: {  	[hbm4b:s25+s2] =	stream.linear.scatter [tilespmem:s22], [sflag:$0x3], $0x80, $0x38;
	[tilespmem:$0x18E00] =	vst v63  }
0x71: {  	s22 =	sadd.s32 $0x4000, s21;
	s23 =	simm.s32 $0xF940  }
0x72: {  	s24 =	simm.s32 $0x10;
	s25 =	simm.s32 $0xF9C8;
	s26 =	sadd.s32 $0x0, s22  }
.LBB2_7:
0x73: {  	[hbm4b:s26+s2] =	stream.linear.scatter [tilespmem:s23], [sflag:$0x3], $0x80, $0x38;
	[tilespmem:$0x18E00] =	vst v63  }
0x74: {  	s26 =	smov.u32 s24;
	s23 =	smov.u32 s25;
	p1 =	sne.s32 s24, $0x1F0  }
.Ltmp2:
0x75: {  	s24 =	sadd.s32 $0x10, s24;
	(pc) =	sbr.rel @p1 .LBB2_7-.Ltmp2, $2  }
0x76: {  	_ =	sdelay $0x2  }
0x77: {  	s25 =	sadd.s32 $0x88, s25;
	s26 =	sadd.s32 s26, s22  }
0x78: {  	[hbm4b:s26+s2] =	stream.linear.scatter [tilespmem:s23], [sflag:$0x3], $0x80, $0x38;
	[tilespmem:$0x18E00] =	vst v63  }
0x79: {  	s22 =	sadd.s32 $0x8000, s21;
	s23 =	simm.s32 $0x10E80  }
0x7a: {  	s24 =	simm.s32 $0x10;
	s25 =	simm.s32 $0x10F08;
	s26 =	sadd.s32 $0x0, s22  }
.LBB2_9:
0x7b: {  	[hbm4b:s26+s2] =	stream.linear.scatter [tilespmem:s23], [sflag:$0x3], $0x80, $0x38;
	[tilespmem:$0x18E00] =	vst v63  }
0x7c: {  	s26 =	smov.u32 s24;
	s23 =	smov.u32 s25;
	p1 =	sne.s32 s24, $0x1F0  }
.Ltmp3:
0x7d: {  	s24 =	sadd.s32 $0x10, s24;
	(pc) =	sbr.rel @p1 .LBB2_9-.Ltmp3, $2  }
0x7e: {  	_ =	sdelay $0x2  }
0x7f: {  	s25 =	sadd.s32 $0x88, s25;
	s26 =	sadd.s32 s26, s22  }
0x80: {  	[hbm4b:s26+s2] =	stream.linear.scatter [tilespmem:s23], [sflag:$0x3], $0x80, $0x38;
	[tilespmem:$0x18E00] =	vst v63  }
0x81: {  	s21 =	sadd.s32 $0xC000, s21;
	s22 =	simm.s32 $0x123C0  }
0x82: {  	s23 =	simm.s32 $0x10;
	s24 =	simm.s32 $0x12448;
	s25 =	sadd.s32 $0x0, s21  }
.LBB2_11:
0x83: {  	[hbm4b:s25+s2] =	stream.linear.scatter [tilespmem:s22], [sflag:$0x3], $0x80, $0x38;
	[tilespmem:$0x18E00] =	vst v63  }
0x84: {  	s25 =	smov.u32 s23;
	s22 =	smov.u32 s24;
	p1 =	sne.s32 s23, $0x1F0  }
.Ltmp4:
0x85: {  	s23 =	sadd.s32 $0x10, s23;
	(pc) =	sbr.rel @p1 .LBB2_11-.Ltmp4, $2  }
0x86: {  	_ =	sdelay $0x2  }
0x87: {  	s24 =	sadd.s32 $0x88, s24;
	s25 =	sadd.s32 s25, s21  }
0x88: {  	p1 =	sne.s32 s19, $0x18  }
.Ltmp5:
0x89: {  	_ = 	snop;
	(pc) =	sbr.rel @p1 .LBB2_14-.Ltmp5, $2  }
0x8a: {  	_ =	sdelay $0x2  }
0x8b: {  	[hbm4b:s25+s2] =	stream.linear.scatter [tilespmem:s22], [sflag:$0x3], $0x80, $0x38;
	[tilespmem:$0x18E00] =	vst v63  }
.Ltmp6:
0x8c: {  	(pc) =	sbr.rel .LBB2_15-.Ltmp6, $4  }
0x8d: {  	_ = 	snop  }
0x8e: {  	_ =	swait.ge [sflag:s14], $0x4000  }
0x8f: {  	[sflag:s14] =	ssyncset.done $0x0  }
0x90: {  	[sflag:s14] =	ssyncadd.s32 $0xFFFFC000  }
.LBB2_14:
0x91: {  	s21 =	sshll.u32 s19, $0xA  }
0x92: {  	s21 =	sand.u32 $0x3FFFFC00, s21  }
.Ltmp7:
0x93: {  	s21 =	sadd.s32 $0x400, s21;
	(pc) =	sbr.rel @p0 .LBB2_16-.Ltmp7, $4  }
0x94: {  	[tilespmem:s10], [sflag:$0x1] =	stream.indirect.gather [hbm4b:s3+s7], $0x20, s21, s7, $0xb8;
	[tilespmem:$0x18E00] =	vst v63  }
0x95: {  	_ =	swait.ge [sflag:s14], $0x4000  }
0x96: {  	[sflag:s14] =	ssyncset.done $0x0  }
0x97: {  	[sflag:s14] =	ssyncadd.s32 $0xFFFFC000  }
.LBB2_15:
0x98: {  	_ =	swait.ge [sflag:s15], $0x4000  }
0x99: {  	[sflag:s15] =	ssyncset.done $0x0  }
0x9a: {  	[sflag:s15] =	ssyncadd.s32 $0xFFFFC000  }
.LBB2_16:
0x9b: {  	s21 =	simm.s32 $0x0  }
0x9c: {  	v2 =	vmov s21  }
0x9d: {  	v2 =	vmul.u32 $0x440, v2;
	_ =	sdelay $0x1  }
0x9e: {  	s29 =	simm.s32 $0x0;
	v2 =	vbroadcast v2, $0x0  }
0x9f: {  	v3 =	vmov s29  }
0xa0: {  	v4 =	vand.u32 $0x78, v3;
	v5 =	vadd.s32 v0, v2  }
0xa1: {  	s22 =	simm.s32 $0x0;
	v3 =	vand.u32 $0x4, v3;
	v2 =	vadd.s32 v1, v2;
	v6 =	vadd.s32 v4, v5  }
0xa2: {  	v7 =	vld [tilespmem:s22+$0xA400];
	v4 =	vadd.s32 v4, v2;
	v6 =	vor.u32 v3, v6  }
0xa3: {  	v8 =	vld [tilespmem:s22+$0xA410];
	v3 =	vor.u32 v3, v4;
	_ =	sdelay $0x1  }
0xa4: {  	s21 =	simm.s32 $0x1  }
0xa5: {  	v4 =	vmov s21  }
0xa6: {  	[tilespmem:v6+s16+$0x0] =	vst.idx.msk $0xffff, v7;
	v6 =	vand.u32 $0x78, v4  }
0xa7: {  	[tilespmem:v3+s16+$0x0] =	vst.idx.msk $0xffff, v8;
	v3 =	vand.u32 $0x5, v4;
	v4 =	vadd.s32 v5, v6  }
0xa8: {  	v6 =	vadd.s32 v2, v6;
	v7 =	vld [tilespmem:s22+$0xA420];
	v4 =	vor.u32 v3, v4  }
0xa9: {  	v8 =	vld [tilespmem:s22+$0xA430];
	v3 =	vor.u32 v3, v6;
	_ =	sdelay $0x1  }
0xaa: {  	s23 =	simm.s32 $0x2  }
0xab: {  	v6 =	vmov s23  }
0xac: {  	[tilespmem:v4+s16+$0x0] =	vst.idx.msk $0xffff, v7;
	v4 =	vand.u32 $0x78, v6  }
0xad: {  	[tilespmem:v3+s16+$0x0] =	vst.idx.msk $0xffff, v8;
	v3 =	vand.u32 $0x6, v6;
	v6 =	vadd.s32 v5, v4  }
0xae: {  	v4 =	vadd.s32 v2, v4;
	v7 =	vld [tilespmem:s22+$0xA440];
	v6 =	vor.u32 v3, v6  }
0xaf: {  	v8 =	vld [tilespmem:s22+$0xA450];
	v3 =	vor.u32 v3, v4;
	_ =	sdelay $0x1  }
0xb0: {  	s30 =	simm.s32 $0x3  }
0xb1: {  	v4 =	vmov s30  }
0xb2: {  	s31 =	simm.s32 $0x0;
	[tilespmem:v6+s16+$0x0] =	vst.idx.msk $0xffff, v7;
	v6 =	vand.u32 $0x78, v4  }
0xb3: {  	[tilespmem:v3+s16+$0x0] =	vst.idx.msk $0xffff, v8;
	v3 =	vand.u32 $0x7, v4;
	v4 =	vadd.s32 v5, v6;
	v5 =	vmov s31  }
0xb4: {  	v9 =	vor.u32 v3, v4;
	v4 =	vmul.u32 $0x440, v5  }
0xb5: {  	v2 =	vadd.s32 v2, v6;
	v8 =	vld [tilespmem:s22+$0xA460]  }
0xb6: {  	v5 =	vor.u32 v3, v2;
	v10 =	vbroadcast v4, $0x0;
	v4 =	vld [tilespmem:s22+$0xA470];
	_ =	sdelay $0x1  }
0xb7: {  	s23 =	simm.s32 $0x4  }
0xb8: {  	v7 =	vmov s23  }
0xb9: {  	s24 =	simm.s32 $0x400;
	v6 =	vand.u32 $0x78, v7;
	s22 =	simm.s32 $0x80;
	v3 =	vadd.s32 v0, v10;
	v2 =	vadd.s32 v1, v10;
	[tilespmem:v9+s16+$0x0] =	vst.idx.msk $0xffff, v8  }
.LBB2_17:
0xba: {  	s25 =	sshra.s32 s24, $0x2;
	p0 =	sne.s32 s24, $0xFE00;
	s24 =	sadd.s32 $0x200, s24;
	v7 =	vand.u32 $0x4, v7;
	v8 =	vadd.s32 v6, v3;
	[tilespmem:v5+s16+$0x0] =	vst.idx.msk $0xffff, v4  }
0xbb: {  	v6 =	vadd.s32 v6, v2;
	v4 =	vld [tilespmem:s22+$0xA400];
	v5 =	vor.u32 v7, v8  }
0xbc: {  	v6 =	vor.u32 v7, v6;
	v8 =	vld [tilespmem:s22+$0xA410];
	_ =	sdelay $0x1  }
0xbd: {  	s26 =	sadd.s32 $0x1, s23  }
0xbe: {  	v7 =	vmov s26  }
0xbf: {  	[tilespmem:v5+s16+$0x0] =	vst.idx.msk $0xffff, v4;
	v4 =	vand.u32 $0x78, v7  }
0xc0: {  	v5 =	vand.u32 $0x5, v7;
	[tilespmem:v6+s16+$0x0] =	vst.idx.msk $0xffff, v8;
	v6 =	vadd.s32 v3, v4  }
0xc1: {  	v4 =	vadd.s32 v2, v4;
	v7 =	vld [tilespmem:s22+$0xA420];
	v6 =	vor.u32 v5, v6  }
0xc2: {  	v4 =	vor.u32 v5, v4;
	v8 =	vld [tilespmem:s22+$0xA430];
	_ =	sdelay $0x1  }
0xc3: {  	s26 =	sadd.s32 $0x2, s23  }
0xc4: {  	v5 =	vmov s26  }
0xc5: {  	[tilespmem:v6+s16+$0x0] =	vst.idx.msk $0xffff, v7;
	v6 =	vand.u32 $0x78, v5  }
0xc6: {  	[tilespmem:v4+s16+$0x0] =	vst.idx.msk $0xffff, v8;
	v4 =	vand.u32 $0x6, v5;
	v5 =	vadd.s32 v3, v6  }
0xc7: {  	v6 =	vadd.s32 v2, v6;
	v7 =	vld [tilespmem:s22+$0xA440];
	v5 =	vor.u32 v4, v5  }
0xc8: {  	v4 =	vor.u32 v4, v6;
	v8 =	vld [tilespmem:s22+$0xA450];
	_ =	sdelay $0x1  }
0xc9: {  	s26 =	sadd.s32 $0x3, s23  }
0xca: {  	v6 =	vmov s26  }
0xcb: {  	s21 =	sadd.s32 $0x1, s21;
	[tilespmem:v5+s16+$0x0] =	vst.idx.msk $0xffff, v7;
	v5 =	vand.u32 $0x78, v6  }
0xcc: {  	s26 =	sshrl.u32 s21, $0x5;
	v6 =	vand.u32 $0x7, v6;
	[tilespmem:v4+s16+$0x0] =	vst.idx.msk $0xffff, v8;
	v3 =	vadd.s32 v3, v5  }
0xcd: {  	v4 =	vmov s26;
	v2 =	vadd.s32 v2, v5;
	v8 =	vld [tilespmem:s22+$0xA460];
	v9 =	vor.u32 v6, v3  }
.Ltmp8:
0xce: {  	v3 =	vmul.u32 $0x440, v4;
	v5 =	vor.u32 v6, v2;
	v4 =	vld [tilespmem:s22+$0xA470];
	s22 =	smov.u32 s25;
	(pc) =	sbr.rel @p0 .LBB2_17-.Ltmp8, $4  }
0xcf: {  	_ = 	snop  }
0xd0: {  	s23 =	sadd.s32 $0x4, s23;
	v2 =	vbroadcast v3, $0x0  }
0xd1: {  	v7 =	vmov s23  }
0xd2: {  	v6 =	vand.u32 $0x78, v7;
	v3 =	vadd.s32 v0, v2;
	v2 =	vadd.s32 v1, v2;
	[tilespmem:v9+s16+$0x0] =	vst.idx.msk $0xffff, v8  }
0xd3: {  	_ =	sdelay $0x3  }
0xd4: {  	v7 =	vand.u32 $0x4, v7;
	v8 =	vadd.s32 v6, v3;
	[tilespmem:v5+s16+$0x0] =	vst.idx.msk $0xffff, v4  }
0xd5: {  	v48 =	vadd.s32 v6, v2;
	v4 =	vld [tilespmem:s22+$0xA400];
	v47 =	vor.u32 v7, v8  }
0xd6: {  	v49 =	vld [tilespmem:s22+$0xA410];
	v6 =	vor.u32 v7, v48;
	_ =	sdelay $0x1  }
0xd7: {  	s21 =	sadd.s32 $0x1, s23  }
0xd8: {  	v50 =	vmov s21  }
0xd9: {  	v51 =	vand.u32 $0x78, v50;
	[tilespmem:v47+s16+$0x0] =	vst.idx.msk $0xffff, v4  }
0xda: {  	v52 =	vand.u32 $0x5, v50;
	v53 =	vadd.s32 v3, v51;
	[tilespmem:v6+s16+$0x0] =	vst.idx.msk $0xffff, v49  }
0xdb: {  	v4 =	vadd.s32 v2, v51;
	v6 =	vor.u32 v52, v53;
	v54 =	vld [tilespmem:s22+$0xA420]  }
0xdc: {  	v4 =	vor.u32 v52, v4;
	v8 =	vld [tilespmem:s22+$0xA430];
	_ =	sdelay $0x1  }
0xdd: {  	s30 =	sadd.s32 $0x2, s23  }
0xde: {  	v55 =	vmov s30  }
0xdf: {  	v56 =	vand.u32 $0x78, v55;
	[tilespmem:v6+s16+$0x0] =	vst.idx.msk $0xffff, v54  }
0xe0: {  	v57 =	vand.u32 $0x6, v55;
	v58 =	vadd.s32 v3, v56;
	[tilespmem:v4+s16+$0x0] =	vst.idx.msk $0xffff, v8  }
0xe1: {  	v5 =	vor.u32 v57, v58;
	v6 =	vadd.s32 v2, v56;
	v7 =	vld [tilespmem:s22+$0xA440]  }
0xe2: {  	v4 =	vor.u32 v57, v6;
	v8 =	vld [tilespmem:s22+$0xA450];
	_ =	sdelay $0x1  }
0xe3: {  	s31 =	sadd.s32 $0x3, s23  }
0xe4: {  	v59 =	vmov s31  }
0xe5: {  	v60 =	vand.u32 $0x78, v59;
	[tilespmem:v5+s16+$0x0] =	vst.idx.msk $0xffff, v7  }
0xe6: {  	v61 =	vand.u32 $0x7, v59;
	v3 =	vadd.s32 v3, v60;
	[tilespmem:v4+s16+$0x0] =	vst.idx.msk $0xffff, v8  }
0xe7: {  	v3 =	vor.u32 v61, v3;
	v2 =	vadd.s32 v2, v60;
	v62 =	vld [tilespmem:s22+$0xA460]  }
0xe8: {  	v2 =	vor.u32 v61, v2;
	v63 =	vld [tilespmem:s22+$0xA470];
	_ =	sdelay $0x2  }
0xe9: {  	s20 =	sshll.u32 s20, $0x10  }
0xea: {  	s23 =	simm.s32 $0x13988;
	s20 =	sadd.s32 s20, s5;
	[tilespmem:v3+s16+$0x0] =	vst.idx.msk $0xffff, v62  }
0xeb: {  	s21 =	simm.s32 $0x13900;
	s24 =	sadd.s32 $0x0, s20;
	s22 =	simm.s32 $0x10;
	[tilespmem:v2+s16+$0x0] =	vst.idx.msk $0xffff, v63  }
.LBB2_19:
0xec: {  	[hbm4b:s24+s2] =	stream.linear.scatter [tilespmem:s21], [sflag:$0x4], $0x80, $0x38;
	[tilespmem:$0x18E00] =	vst v63  }
0xed: {  	s24 =	smov.u32 s22;
	s21 =	smov.u32 s23;
	p0 =	sne.s32 s22, $0x1F0  }
.Ltmp9:
0xee: {  	s22 =	sadd.s32 $0x10, s22;
	(pc) =	sbr.rel @p0 .LBB2_19-.Ltmp9, $2  }
0xef: {  	_ =	sdelay $0x2  }
0xf0: {  	s23 =	sadd.s32 $0x88, s23;
	s24 =	sadd.s32 s24, s20  }
0xf1: {  	[hbm4b:s24+s2] =	stream.linear.scatter [tilespmem:s21], [sflag:$0x4], $0x80, $0x38;
	[tilespmem:$0x18E00] =	vst v63  }
0xf2: {  	s21 =	sadd.s32 $0x4000, s20;
	s22 =	simm.s32 $0x14E40  }
0xf3: {  	s23 =	simm.s32 $0x10;
	s24 =	simm.s32 $0x14EC8;
	s25 =	sadd.s32 $0x0, s21  }
.LBB2_21:
0xf4: {  	[hbm4b:s25+s2] =	stream.linear.scatter [tilespmem:s22], [sflag:$0x4], $0x80, $0x38;
	[tilespmem:$0x18E00] =	vst v63  }
0xf5: {  	s25 =	smov.u32 s23;
	s22 =	smov.u32 s24;
	p0 =	sne.s32 s23, $0x1F0  }
.Ltmp10:
0xf6: {  	s23 =	sadd.s32 $0x10, s23;
	(pc) =	sbr.rel @p0 .LBB2_21-.Ltmp10, $2  }
0xf7: {  	_ =	sdelay $0x2  }
0xf8: {  	s24 =	sadd.s32 $0x88, s24;
	s25 =	sadd.s32 s25, s21  }
0xf9: {  	[hbm4b:s25+s2] =	stream.linear.scatter [tilespmem:s22], [sflag:$0x4], $0x80, $0x38;
	[tilespmem:$0x18E00] =	vst v63  }
0xfa: {  	s21 =	sadd.s32 $0x8000, s20;
	s22 =	simm.s32 $0x16380  }
0xfb: {  	s23 =	simm.s32 $0x10;
	s24 =	simm.s32 $0x16408;
	s25 =	sadd.s32 $0x0, s21  }
.LBB2_23:
0xfc: {  	[hbm4b:s25+s2] =	stream.linear.scatter [tilespmem:s22], [sflag:$0x4], $0x80, $0x38;
	[tilespmem:$0x18E00] =	vst v63  }
0xfd: {  	s25 =	smov.u32 s23;
	s22 =	smov.u32 s24;
	p0 =	sne.s32 s23, $0x1F0  }
.Ltmp11:
0xfe: {  	s23 =	sadd.s32 $0x10, s23;
	(pc) =	sbr.rel @p0 .LBB2_23-.Ltmp11, $2  }
0xff: {  	_ =	sdelay $0x2  }
0x100: {  	s24 =	sadd.s32 $0x88, s24;
	s25 =	sadd.s32 s25, s21  }
0x101: {  	[hbm4b:s25+s2] =	stream.linear.scatter [tilespmem:s22], [sflag:$0x4], $0x80, $0x38;
	[tilespmem:$0x18E00] =	vst v63  }
0x102: {  	s20 =	sadd.s32 $0xC000, s20;
	s21 =	simm.s32 $0x178C0  }
0x103: {  	s22 =	simm.s32 $0x10;
	s23 =	simm.s32 $0x17948;
	s24 =	sadd.s32 $0x0, s20  }
.LBB2_25:
0x104: {  	[hbm4b:s24+s2] =	stream.linear.scatter [tilespmem:s21], [sflag:$0x4], $0x80, $0x38;
	[tilespmem:$0x18E00] =	vst v63  }
0x105: {  	s24 =	smov.u32 s22;
	s21 =	smov.u32 s23;
	p0 =	sne.s32 s22, $0x1F0  }
.Ltmp12:
0x106: {  	s22 =	sadd.s32 $0x10, s22;
	(pc) =	sbr.rel @p0 .LBB2_25-.Ltmp12, $2  }
0x107: {  	_ =	sdelay $0x2  }
0x108: {  	s23 =	sadd.s32 $0x88, s23;
	s24 =	sadd.s32 s24, s20  }
0x109: {  	s19 =	sadd.s32 $0x1, s19  }
0x10a: {  	p0 =	sne.s32 s19, $0x19  }
.Ltmp13:
0x10b: {  	_ = 	snop;
	(pc) =	sbr.rel @p0 .LBB2_2-.Ltmp13, $2  }
0x10c: {  	_ =	sdelay $0x2  }
0x10d: {  	[hbm4b:s24+s2] =	stream.linear.scatter [tilespmem:s21], [sflag:$0x4], $0x80, $0x38;
	[tilespmem:$0x18E00] =	vst v63  }
0x10e: {  	s18 =	sadd.s32 $0x1, s18  }
0x10f: {  	_ =	swait.ge [sflag:s17], $0x4000;
	p0 =	sne.s32 s18, s6  }
.Ltmp14:
0x110: {  	[sflag:s17] =	ssyncset.done $0x0;
	(pc) =	sbr.rel @p0 .LBB2_1-.Ltmp14, $4  }
0x111: {  	[sflag:s17] =	ssyncadd.s32 $0xFFFFC000  }
0x112: {  	_ =	swait.ge [sflag:s15], $0x4000  }
0x113: {  	[sflag:s15] =	ssyncset.done $0x0  }
0x114: {  	[sflag:s15] =	ssyncadd.s32 $0xFFFFC000  }
0x115: {  	_ =	sfence.sel $0x180000  }
0x116: {  	[bflag:$0x0] =	sbarrier.arrive $0xFFFF  }
0x117: {  	p0 =	sne.s32 s1, $0x0;
	_ =	strace $0x90000047  }
0x118: {  	s0 =	sadd.s32 @!p0 $0x100000, s0;
	[bflag:$0x2] =	sbarrier.arrive $0xFFFF  }
0x119: {  	[sflag:s0] =	ssyncadd.tile.s32 @!p0 $0x1;
	_ =	shalt  }
.Lfunc_end2:
_tile_overlayer_lowered:
.L_overlay_start_2:
0x11a: {  	(tag) =	ssettag $0x2  }
0x11b: {  	s0 =	rddreg [dreg:$0x0];
	s2 =	stileid.u32  }
0x11c: {  	s1 =	rddreg [dreg:$0x1];
	p0 =	sne.s32 s2, $0x0  }
0x11d: {  	s3 =	rddreg [dreg:$0x2];
	[bflag:$0x3] =	sbarrier.arrive $0xFFFF;
	s2 =	simm.s32 @!p0 $0x1C05  }
0x11e: {  	[timem:s3], [sflag:s2] =	dma.local @!p0 [hbm:s0], s1  }
0x11f: {  	s0 =	simm.s32 @!p0 $0x5  }
0x120: {  	_ =	swait.ge @!p0 [sflag:s0], s1  }
0x121: {  	s1 =	ssub.s32 @!p0 $0x0, s1;
	[sflag:s0] =	ssyncset.done @!p0 $0x0  }
0x122: {  	[sflag:s0] =	ssyncadd.s32 @!p0 s1  }
0x123: {  	[bflag:$0x3] =	sbarrier.arrive $0xFFFF  }
0x124: {  	_ =	shalt  }

</sc_bundles>
